<compile_context>
chip_gen: v7x
topology: tpu7x:2x2x1
jax: 0.10.2.dev20260603
libtpu: 0.0.44.dev20260713+nightly
codegen_flags: <defaults>
</compile_context>

<pallas_src>
import functools

import jax
import jax.numpy as jnp
from jax import lax
from jax.experimental import pallas as pl
from jax.experimental.pallas import tpu as pltpu
from jax.experimental.pallas import tpu_sc as plsc

_NUM_POS = 128
_NUM_NEG = 128
_LANES = 128
_ROWS = 160


def _select_kernel(tb_ref, planes_ref, pos_ref, neg_ref, ptgt_ref,
                   pkey_ref, nkey_ref, targ_ref,
                   *, n_valid, n_tgt):
    xc = planes_ref[0]
    yc = planes_ref[1]
    w = planes_ref[2]
    h = planes_ref[3]
    x0 = xc - w / 2
    y0 = yc - h / 2
    x1 = xc + w / 2
    y1 = yc + h / 2
    area_p = (x1 - x0) * (y1 - y0)

    def tgt_body(t, carry):
        miou, targ = carry
        txc = tb_ref[t, 0]
        tyc = tb_ref[t, 1]
        tw = tb_ref[t, 2]
        th = tb_ref[t, 3]
        tx0 = txc - tw / 2
        ty0 = tyc - th / 2
        tx1 = txc + tw / 2
        ty1 = tyc + th / 2
        area_t = (tx1 - tx0) * (ty1 - ty0)
        iw = jnp.maximum(jnp.minimum(x1, tx1) - jnp.maximum(x0, tx0), 0.0)
        ih = jnp.maximum(jnp.minimum(y1, ty1) - jnp.maximum(y0, ty0), 0.0)
        inter = iw * ih
        union = (area_p + area_t) - inter
        iou = inter / jnp.maximum(union, 1e-8)
        upd = iou > miou
        return jnp.where(upd, iou, miou), jnp.where(upd, t, targ)

    miou0 = jnp.full((_ROWS, _LANES), -jnp.inf, dtype=jnp.float32)
    targ0 = jnp.zeros((_ROWS, _LANES), dtype=jnp.int32)
    miou, targ = lax.fori_loop(0, n_tgt, tgt_body, (miou0, targ0))
    targ_ref[...] = targ

    lane = lax.broadcasted_iota(jnp.int32, (1, _LANES), 1)
    row = lax.broadcasted_iota(jnp.int32, (_ROWS, 1), 0)
    gidx = lane * _ROWS + row
    valid = gidx < n_valid
    ninf = jnp.float32(-jnp.inf)
    big = jnp.int32(2**20)

    pkey_ref[...] = jnp.where(valid, miou, ninf)
    nkey_ref[...] = jnp.where(valid, -miou, ninf)

    def col_best(key):
        mx = jnp.max(key, axis=0, keepdims=True)
        rw = jnp.min(jnp.where(key == mx, row, big), axis=0, keepdims=True)
        return mx, rw

    pcmax, pcrow = col_best(pkey_ref[...])
    ncmax, ncrow = col_best(nkey_ref[...])

    def extract(key_ref, cmax, crow):
        m = jnp.max(cmax, axis=1, keepdims=True)
        packed = jnp.where(cmax == m, lane * 1024 + crow, big)
        p = jnp.min(packed, axis=1, keepdims=True)
        c = p // 1024
        r = p % 1024
        lanec = lane == c
        hit = lanec & (row == r)
        key = jnp.where(hit, ninf, key_ref[...])
        key_ref[...] = key
        colvals = jnp.where(lanec, key, ninf)
        mx = jnp.max(colvals, axis=0, keepdims=True)
        rw = jnp.min(jnp.where(colvals == mx, row, big), axis=0, keepdims=True)
        cmax = jnp.where(lanec, mx, cmax)
        crow = jnp.where(lanec, rw, crow)
        return cmax, crow, c * _ROWS + r, hit

    def ext_body(i, s):
        pcmax, pcrow, ncmax, ncrow, pvec, nvec, tvec = s
        pcmax, pcrow, porig, phit = extract(pkey_ref, pcmax, pcrow)
        ncmax, ncrow, norig, _ = extract(nkey_ref, ncmax, ncrow)
        ptgt = jnp.max(jnp.max(jnp.where(phit, targ_ref[...], -1), axis=0,
                               keepdims=True), axis=1, keepdims=True)
        sel = lane == i
        pvec = jnp.where(sel, porig, pvec)
        nvec = jnp.where(sel, norig, nvec)
        tvec = jnp.where(sel, ptgt, tvec)
        return pcmax, pcrow, ncmax, ncrow, pvec, nvec, tvec

    zero = jnp.zeros((1, _LANES), dtype=jnp.int32)
    s = lax.fori_loop(0, _NUM_POS, ext_body,
                      (pcmax, pcrow, ncmax, ncrow, zero, zero, zero))
    pos_ref[...] = s[4]
    neg_ref[...] = s[5]
    ptgt_ref[...] = s[6]


def _select_indices(input_boxes, target_boxes):
    b1 = input_boxes.shape[1]
    n_tgt = target_boxes.shape[1]
    npad = _ROWS * _LANES
    planes = jnp.transpose(input_boxes[0])
    planes = jnp.pad(planes, ((0, 0), (0, npad - b1)))
    planes = planes.reshape(4, _LANES, _ROWS).transpose(0, 2, 1)
    idx_shape = jax.ShapeDtypeStruct((1, _LANES), jnp.int32)
    pos, neg, ptgt = pl.pallas_call(
        functools.partial(_select_kernel, n_valid=b1, n_tgt=n_tgt),
        out_shape=[idx_shape, idx_shape, idx_shape],
        in_specs=[
            pl.BlockSpec(memory_space=pltpu.SMEM),
            pl.BlockSpec(memory_space=pltpu.VMEM),
        ],
        out_specs=[pl.BlockSpec(memory_space=pltpu.VMEM)] * 3,
        scratch_shapes=[
            pltpu.VMEM((_ROWS, _LANES), jnp.float32),
            pltpu.VMEM((_ROWS, _LANES), jnp.float32),
            pltpu.VMEM((_ROWS, _LANES), jnp.int32),
        ],
    )(target_boxes[0], planes)
    return pos.reshape(-1), neg.reshape(-1), ptgt.reshape(-1)


def _gather_body(pos_hbm, neg_hbm, ptgt_hbm, ftab_hbm, ttab_hbm,
                 out_p, out_n, out_t,
                 idx_v, rows_v, tidx_v, trows_v, sem):
    wid = lax.axis_index("s") * 2 + lax.axis_index("c")
    is_pos = wid < 16
    base = jnp.where(is_pos, wid, wid - 16) * 8

    @pl.when(is_pos)
    def _():
        pltpu.sync_copy(pos_hbm.at[pl.ds(base, 8)], idx_v)
        pltpu.async_copy(ftab_hbm.at[idx_v], rows_v, sem).wait()
        pltpu.sync_copy(rows_v, out_p.at[pl.ds(base, 8)])
        pltpu.sync_copy(ptgt_hbm.at[pl.ds(base, 8)], tidx_v)
        pltpu.async_copy(ttab_hbm.at[tidx_v], trows_v, sem).wait()
        pltpu.sync_copy(trows_v, out_t.at[pl.ds(base, 8)])

    @pl.when(jnp.logical_not(is_pos))
    def _():
        pltpu.sync_copy(neg_hbm.at[pl.ds(base, 8)], idx_v)
        pltpu.async_copy(ftab_hbm.at[idx_v], rows_v, sem).wait()
        pltpu.sync_copy(rows_v, out_n.at[pl.ds(base, 8)])


def _gather_sc(pos_idx, neg_idx, ptgt_idx, ftable, ttable):
    f32 = jnp.float32
    i32 = jnp.int32
    fw = ftable.shape[1]
    tw = ttable.shape[1]
    run = pl.kernel(
        _gather_body,
        out_type=[
            jax.ShapeDtypeStruct((_NUM_POS, fw), f32),
            jax.ShapeDtypeStruct((_NUM_NEG, fw), f32),
            jax.ShapeDtypeStruct((_NUM_POS, tw), i32),
        ],
        mesh=plsc.VectorSubcoreMesh(core_axis_name="c", subcore_axis_name="s"),
        compiler_params=pltpu.CompilerParams(use_tc_tiling_on_sc=False),
        scratch_types=[
            pltpu.VMEM((8,), i32),
            pltpu.VMEM((8, fw), f32),
            pltpu.VMEM((8,), i32),
            pltpu.VMEM((8, tw), i32),
            pltpu.SemaphoreType.DMA,
        ],
    )
    return run(pos_idx, neg_idx, ptgt_idx, ftable, ttable)


def kernel(input_boxes, input_anchors, input_trans, input_scores,
           target_boxes, target_labels):
    pos_idx, neg_idx, ptgt_idx = _select_indices(input_boxes, target_boxes)

    b1 = input_boxes.shape[1]
    b2 = target_boxes.shape[1]
    nlab = target_labels.shape[2]
    ftable = jnp.concatenate(
        [input_boxes[0], input_anchors[0], input_trans[0], input_scores[0],
         jnp.zeros((b1, 3), jnp.float32)], axis=1)
    ttable = jnp.concatenate(
        [lax.bitcast_convert_type(target_boxes[0], jnp.int32),
         target_labels[0],
         jnp.zeros((b2, 32 - 4 - nlab), jnp.int32)], axis=1)
    prow, nrow, trow = _gather_sc(pos_idx, neg_idx, ptgt_idx, ftable, ttable)
    return (
        prow[:, 0:4], nrow[:, 0:4],
        prow[:, 4:8], nrow[:, 4:8],
        prow[:, 8:12], nrow[:, 8:12],
        prow[:, 12:13], nrow[:, 12:13],
        lax.bitcast_convert_type(trow[:, 0:4], jnp.float32),
        trow[:, 4:4 + nlab],
    )

# --- scband reference (transcript-rebuilt; emitter-appended) ---
"""Pipeline reference for scband-box-sampler-helper-45973329936528 (READ-ONLY COPY).

The authoritative reference and input builder live on the scoring server;
editing this copy changes nothing except your own understanding.
"""

import jax, jax.numpy as jnp
import numpy as np

NUM_POS = 128
NUM_NEG = 128


def _xywh_to_xyxy(b):
    xc, yc, w, h = b[:, 0], b[:, 1], b[:, 2], b[:, 3]
    return jnp.stack([xc - w / 2, yc - h / 2, xc + w / 2, yc + h / 2], axis=1)


def _box_iou(a, b):
    A = _xywh_to_xyxy(a)
    B = _xywh_to_xyxy(b)
    x0 = jnp.maximum(A[:, None, 0], B[None, :, 0])
    y0 = jnp.maximum(A[:, None, 1], B[None, :, 1])
    x1 = jnp.minimum(A[:, None, 2], B[None, :, 2])
    y1 = jnp.minimum(A[:, None, 3], B[None, :, 3])
    inter = jnp.clip(x1 - x0, 0.0) * jnp.clip(y1 - y0, 0.0)
    area_a = (A[:, 2] - A[:, 0]) * (A[:, 3] - A[:, 1])
    area_b = (B[:, 2] - B[:, 0]) * (B[:, 3] - B[:, 1])
    union = area_a[:, None] + area_b[None, :] - inter
    return inter / jnp.maximum(union, 1e-8)


def setup_inputs(seed: int = 0) -> dict:
    key = jax.random.key(seed)
    k1, k2, k3, k4, k5, k6, k7, k8 = jax.random.split(key, 8)
    B1, B2 = 20000, 50
    in_centers = jax.random.uniform(k1, (1, B1, 2), dtype=jnp.float32) * 512.0
    in_sizes = jax.random.uniform(k2, (1, B1, 2), dtype=jnp.float32) * 88.0 + 8.0
    input_boxes = jnp.concatenate([in_centers, in_sizes], axis=2)
    tg_centers = jax.random.uniform(k3, (1, B2, 2), dtype=jnp.float32) * 512.0
    tg_sizes = jax.random.uniform(k4, (1, B2, 2), dtype=jnp.float32) * 88.0 + 8.0
    target_boxes = jnp.concatenate([tg_centers, tg_sizes], axis=2)
    input_anchors = jax.random.uniform(k5, (1, B1, 4), dtype=jnp.float32) * 512.0
    input_trans = jax.random.normal(k6, (1, B1, 4), dtype=jnp.float32) * 0.1
    input_scores = jax.random.normal(k7, (1, B1, 1), dtype=jnp.float32)
    target_labels = jax.random.randint(k8, (1, B2, 15), 0, 10000, dtype=jnp.int64 if jax.config.read('jax_enable_x64') else jnp.int32)
    return {
        'input_boxes': input_boxes,
        'input_anchors': input_anchors,
        'input_trans': input_trans,
        'input_scores': input_scores,
        'target_boxes': target_boxes,
        'target_labels': target_labels,
    }


def reference(input_boxes, input_anchors, input_trans, input_scores, target_boxes, target_labels):
    # BoxSampler: IoU between every proposal and every GT box, then pick
    # positives (highest max-IoU) and negatives (lowest max-IoU).
    # Deterministic top-k sampling replaces random subsampling for reproducibility.
    iou = _box_iou(input_boxes[0], target_boxes[0])  # [B1, B2]
    max_iou = jnp.max(iou, axis=1)                   # [B1]
    tgt_argmax = jnp.argmax(iou, axis=1)             # [B1]
    _, pos_input_idx = jax.lax.top_k(max_iou, NUM_POS)
    _, neg_input_idx = jax.lax.top_k(-max_iou, NUM_NEG)
    pos_target_idx = jnp.take(tgt_argmax, pos_input_idx, axis=0)
    # index_select(input, 1, idx).squeeze(0)
    output_boxes_pos = jnp.take(input_boxes[0], pos_input_idx, axis=0)
    output_boxes_neg = jnp.take(input_boxes[0], neg_input_idx, axis=0)
    output_anchors_pos = jnp.take(input_anchors[0], pos_input_idx, axis=0)
    output_anchors_neg = jnp.take(input_anchors[0], neg_input_idx, axis=0)
    output_trans_pos = jnp.take(input_trans[0], pos_input_idx, axis=0)
    output_trans_neg = jnp.take(input_trans[0], neg_input_idx, axis=0)
    output_scores_pos = jnp.take(input_scores[0], pos_input_idx, axis=0)
    output_scores_neg = jnp.take(input_scores[0], neg_input_idx, axis=0)
    output_target_boxes = jnp.take(target_boxes[0], pos_target_idx, axis=0)
    output_target_labels = jnp.take(target_labels[0], pos_target_idx, axis=0)
    return (output_boxes_pos, output_boxes_neg,
            output_anchors_pos, output_anchors_neg,
            output_trans_pos, output_trans_neg,
            output_scores_pos, output_scores_neg,
            output_target_boxes, output_target_labels)

if __name__ == "__main__":
    import jax
    _d = setup_inputs()
    print(jax.jit(kernel)(*tuple(_d.values())))

</pallas_src>

<mosaic_0001>
#map = affine_map<(d0, d1) -> (0)>
#map1 = affine_map<(d0, d1) -> (0, 0)>
module attributes {stable_mosaic.version = 14 : i64} {
  func.func @_gather_body(%arg0: i32, %arg1: i32, %arg2: memref<128xi32, #tpu.memory_space<hbm>>, %arg3: memref<128xi32, #tpu.memory_space<hbm>>, %arg4: memref<128xi32, #tpu.memory_space<hbm>>, %arg5: memref<20000x16xf32, #tpu.memory_space<hbm>>, %arg6: memref<50x32xi32, #tpu.memory_space<hbm>>, %arg7: memref<128x16xf32, #tpu.memory_space<hbm>>, %arg8: memref<128x16xf32, #tpu.memory_space<hbm>>, %arg9: memref<128x32xi32, #tpu.memory_space<hbm>>, %arg10: memref<8xi32, #tpu.memory_space<vmem>>, %arg11: memref<8x16xf32, #tpu.memory_space<vmem>>, %arg12: memref<8xi32, #tpu.memory_space<vmem>>, %arg13: memref<8x32xi32, #tpu.memory_space<vmem>>, %arg14: memref<!tpu.dma_semaphore, #tpu.memory_space<semaphore_mem>>) attributes {dimension_semantics = [#tpu.dimension_semantics<core_parallel>, #tpu.dimension_semantics<subcore_parallel>], iteration_bounds = array<i64: 2, 16>, scalar_prefetch = 0 : i64, scratch_operands = 5 : i64, tpu.core_type = #tpu.core_type<sc_vector_subcore>, window_params = [{transform_indices = #map}, {transform_indices = #map}, {transform_indices = #map}, {transform_indices = #map1}, {transform_indices = #map1}, {transform_indices = #map1}, {transform_indices = #map1}, {transform_indices = #map1}]} {
    %mul3A = arith.constant 2 : i32
    %mul3A_0 = arith.muli %arg1, %mul3A : i32
    %add3A = arith.addi %mul3A_0, %arg0 : i32
    %lt3A = arith.constant 16 : i32
    %lt3A_1 = arith.cmpi slt, %add3A, %lt3A : i32
    %sub3A = arith.constant 16 : i32
    %sub3A_2 = arith.subi %add3A, %sub3A : i32
    %select_n3A = arith.select %lt3A_1, %add3A, %sub3A_2 : i32
    %mul3A_3 = arith.constant 8 : i32
    %mul3A_4 = arith.muli %select_n3A, %mul3A_3 : i32
    %convert_element_type3A = arith.extui %lt3A_1 : i1 to i32
    %cond3A = arith.constant 0 : i32
    %cond3A_5 = arith.cmpi ne, %convert_element_type3A, %cond3A : i32
    scf.if %cond3A_5 {
      "tpu.region"() ({
        %run_scoped3A = tpu.sem_alloc : memref<!tpu.dma_semaphore, #tpu.memory_space<semaphore_mem>>
        %dma_start3A_20 = tpu.memref_slice %arg2[%mul3A_4] : memref<128xi32, #tpu.memory_space<hbm>> -> memref<8xi32, #tpu.memory_space<hbm>>
        %dma_start3A_21 = tpu.memref_slice %arg2[%mul3A_4] : memref<128xi32, #tpu.memory_space<hbm>> -> memref<8xi32, #tpu.memory_space<hbm>>
        tpu.enqueue_dma source(%dma_start3A_21 : memref<8xi32, #tpu.memory_space<hbm>>) target(%arg10 : memref<8xi32, #tpu.memory_space<vmem>>) target_semaphore(%run_scoped3A : memref<!tpu.dma_semaphore, #tpu.memory_space<semaphore_mem>>)
        %dma_wait3A_22 = tpu.memref_slice %arg2[%mul3A_4] : memref<128xi32, #tpu.memory_space<hbm>> -> memref<8xi32, #tpu.memory_space<hbm>>
        %dma_wait3A_23 = tpu.memref_slice %arg2[%mul3A_4] : memref<128xi32, #tpu.memory_space<hbm>> -> memref<8xi32, #tpu.memory_space<hbm>>
        tpu.wait_dma2 semaphore(%run_scoped3A : memref<!tpu.dma_semaphore, #tpu.memory_space<semaphore_mem>>) src(%dma_wait3A_23 : memref<8xi32, #tpu.memory_space<hbm>>) dst(%arg10 : memref<8xi32, #tpu.memory_space<vmem>>)
        tpu.yield
      }) : () -> ()
      %dma_start3A = arith.constant 0 : i32
      %dma_start3A_10 = arith.constant 0 : i32
      %dma_start3A_11 = tpu.memref_slice %arg5[%dma_start3A, %dma_start3A_10] : memref<20000x16xf32, #tpu.memory_space<hbm>> -> memref<20000x16xf32, #tpu.memory_space<hbm>>
      tpu.enqueue_indirect_dma source(%dma_start3A_11 : memref<20000x16xf32, #tpu.memory_space<hbm>>) target(%arg11 : memref<8x16xf32, #tpu.memory_space<vmem>>) offsets(%arg10 : memref<8xi32, #tpu.memory_space<vmem>>) semaphore(%arg14 : memref<!tpu.dma_semaphore, #tpu.memory_space<semaphore_mem>>)
      %dma_wait3A = arith.constant 0 : i32
      %dma_wait3A_12 = arith.constant 0 : i32
      %dma_wait3A_13 = tpu.memref_slice %arg5[%dma_wait3A, %dma_wait3A_12] : memref<20000x16xf32, #tpu.memory_space<hbm>> -> memref<20000x16xf32, #tpu.memory_space<hbm>>
      tpu.wait_indirect_dma semaphore(%arg14 : memref<!tpu.dma_semaphore, #tpu.memory_space<semaphore_mem>>) src(%dma_wait3A_13 : memref<20000x16xf32, #tpu.memory_space<hbm>>) dst(%arg11 : memref<8x16xf32, #tpu.memory_space<vmem>>)
      "tpu.region"() ({
        %run_scoped3A = tpu.sem_alloc : memref<!tpu.dma_semaphore, #tpu.memory_space<semaphore_mem>>
        %dma_start3A_20 = arith.constant 0 : i32
        %dma_start3A_21 = tpu.memref_slice %arg7[%mul3A_4, %dma_start3A_20] : memref<128x16xf32, #tpu.memory_space<hbm>> -> memref<8x16xf32, #tpu.memory_space<hbm>>
        %dma_start3A_22 = arith.constant 0 : i32
        %dma_start3A_23 = tpu.memref_slice %arg7[%mul3A_4, %dma_start3A_22] : memref<128x16xf32, #tpu.memory_space<hbm>> -> memref<8x16xf32, #tpu.memory_space<hbm>>
        tpu.enqueue_dma source(%arg11 : memref<8x16xf32, #tpu.memory_space<vmem>>) target(%dma_start3A_23 : memref<8x16xf32, #tpu.memory_space<hbm>>) target_semaphore(%run_scoped3A : memref<!tpu.dma_semaphore, #tpu.memory_space<semaphore_mem>>)
        %dma_wait3A_24 = arith.constant 0 : i32
        %dma_wait3A_25 = tpu.memref_slice %arg7[%mul3A_4, %dma_wait3A_24] : memref<128x16xf32, #tpu.memory_space<hbm>> -> memref<8x16xf32, #tpu.memory_space<hbm>>
        %dma_wait3A_26 = arith.constant 0 : i32
        %dma_wait3A_27 = tpu.memref_slice %arg7[%mul3A_4, %dma_wait3A_26] : memref<128x16xf32, #tpu.memory_space<hbm>> -> memref<8x16xf32, #tpu.memory_space<hbm>>
        tpu.wait_dma2 semaphore(%run_scoped3A : memref<!tpu.dma_semaphore, #tpu.memory_space<semaphore_mem>>) src(%arg11 : memref<8x16xf32, #tpu.memory_space<vmem>>) dst(%dma_wait3A_27 : memref<8x16xf32, #tpu.memory_space<hbm>>)
        tpu.yield
      }) : () -> ()
      "tpu.region"() ({
        %run_scoped3A = tpu.sem_alloc : memref<!tpu.dma_semaphore, #tpu.memory_space<semaphore_mem>>
        %dma_start3A_20 = tpu.memref_slice %arg4[%mul3A_4] : memref<128xi32, #tpu.memory_space<hbm>> -> memref<8xi32, #tpu.memory_space<hbm>>
        %dma_start3A_21 = tpu.memref_slice %arg4[%mul3A_4] : memref<128xi32, #tpu.memory_space<hbm>> -> memref<8xi32, #tpu.memory_space<hbm>>
        tpu.enqueue_dma source(%dma_start3A_21 : memref<8xi32, #tpu.memory_space<hbm>>) target(%arg12 : memref<8xi32, #tpu.memory_space<vmem>>) target_semaphore(%run_scoped3A : memref<!tpu.dma_semaphore, #tpu.memory_space<semaphore_mem>>)
        %dma_wait3A_22 = tpu.memref_slice %arg4[%mul3A_4] : memref<128xi32, #tpu.memory_space<hbm>> -> memref<8xi32, #tpu.memory_space<hbm>>
        %dma_wait3A_23 = tpu.memref_slice %arg4[%mul3A_4] : memref<128xi32, #tpu.memory_space<hbm>> -> memref<8xi32, #tpu.memory_space<hbm>>
        tpu.wait_dma2 semaphore(%run_scoped3A : memref<!tpu.dma_semaphore, #tpu.memory_space<semaphore_mem>>) src(%dma_wait3A_23 : memref<8xi32, #tpu.memory_space<hbm>>) dst(%arg12 : memref<8xi32, #tpu.memory_space<vmem>>)
        tpu.yield
      }) : () -> ()
      %dma_start3A_14 = arith.constant 0 : i32
      %dma_start3A_15 = arith.constant 0 : i32
      %dma_start3A_16 = tpu.memref_slice %arg6[%dma_start3A_14, %dma_start3A_15] : memref<50x32xi32, #tpu.memory_space<hbm>> -> memref<50x32xi32, #tpu.memory_space<hbm>>
      tpu.enqueue_indirect_dma source(%dma_start3A_16 : memref<50x32xi32, #tpu.memory_space<hbm>>) target(%arg13 : memref<8x32xi32, #tpu.memory_space<vmem>>) offsets(%arg12 : memref<8xi32, #tpu.memory_space<vmem>>) semaphore(%arg14 : memref<!tpu.dma_semaphore, #tpu.memory_space<semaphore_mem>>)
      %dma_wait3A_17 = arith.constant 0 : i32
      %dma_wait3A_18 = arith.constant 0 : i32
      %dma_wait3A_19 = tpu.memref_slice %arg6[%dma_wait3A_17, %dma_wait3A_18] : memref<50x32xi32, #tpu.memory_space<hbm>> -> memref<50x32xi32, #tpu.memory_space<hbm>>
      tpu.wait_indirect_dma semaphore(%arg14 : memref<!tpu.dma_semaphore, #tpu.memory_space<semaphore_mem>>) src(%dma_wait3A_19 : memref<50x32xi32, #tpu.memory_space<hbm>>) dst(%arg13 : memref<8x32xi32, #tpu.memory_space<vmem>>)
      "tpu.region"() ({
        %run_scoped3A = tpu.sem_alloc : memref<!tpu.dma_semaphore, #tpu.memory_space<semaphore_mem>>
        %dma_start3A_20 = arith.constant 0 : i32
        %dma_start3A_21 = tpu.memref_slice %arg9[%mul3A_4, %dma_start3A_20] : memref<128x32xi32, #tpu.memory_space<hbm>> -> memref<8x32xi32, #tpu.memory_space<hbm>>
        %dma_start3A_22 = arith.constant 0 : i32
        %dma_start3A_23 = tpu.memref_slice %arg9[%mul3A_4, %dma_start3A_22] : memref<128x32xi32, #tpu.memory_space<hbm>> -> memref<8x32xi32, #tpu.memory_space<hbm>>
        tpu.enqueue_dma source(%arg13 : memref<8x32xi32, #tpu.memory_space<vmem>>) target(%dma_start3A_23 : memref<8x32xi32, #tpu.memory_space<hbm>>) target_semaphore(%run_scoped3A : memref<!tpu.dma_semaphore, #tpu.memory_space<semaphore_mem>>)
        %dma_wait3A_24 = arith.constant 0 : i32
        %dma_wait3A_25 = tpu.memref_slice %arg9[%mul3A_4, %dma_wait3A_24] : memref<128x32xi32, #tpu.memory_space<hbm>> -> memref<8x32xi32, #tpu.memory_space<hbm>>
        %dma_wait3A_26 = arith.constant 0 : i32
        %dma_wait3A_27 = tpu.memref_slice %arg9[%mul3A_4, %dma_wait3A_26] : memref<128x32xi32, #tpu.memory_space<hbm>> -> memref<8x32xi32, #tpu.memory_space<hbm>>
        tpu.wait_dma2 semaphore(%run_scoped3A : memref<!tpu.dma_semaphore, #tpu.memory_space<semaphore_mem>>) src(%arg13 : memref<8x32xi32, #tpu.memory_space<vmem>>) dst(%dma_wait3A_27 : memref<8x32xi32, #tpu.memory_space<hbm>>)
        tpu.yield
      }) : () -> ()
    } else {
    }
    %not3A = arith.constant true
    %not3A_6 = arith.xori %lt3A_1, %not3A : i1
    %convert_element_type3A_7 = arith.extui %not3A_6 : i1 to i32
    %cond3A_8 = arith.constant 0 : i32
    %cond3A_9 = arith.cmpi ne, %convert_element_type3A_7, %cond3A_8 : i32
    scf.if %cond3A_9 {
      "tpu.region"() ({
        %run_scoped3A = tpu.sem_alloc : memref<!tpu.dma_semaphore, #tpu.memory_space<semaphore_mem>>
        %dma_start3A_14 = tpu.memref_slice %arg3[%mul3A_4] : memref<128xi32, #tpu.memory_space<hbm>> -> memref<8xi32, #tpu.memory_space<hbm>>
        %dma_start3A_15 = tpu.memref_slice %arg3[%mul3A_4] : memref<128xi32, #tpu.memory_space<hbm>> -> memref<8xi32, #tpu.memory_space<hbm>>
        tpu.enqueue_dma source(%dma_start3A_15 : memref<8xi32, #tpu.memory_space<hbm>>) target(%arg10 : memref<8xi32, #tpu.memory_space<vmem>>) target_semaphore(%run_scoped3A : memref<!tpu.dma_semaphore, #tpu.memory_space<semaphore_mem>>)
        %dma_wait3A_16 = tpu.memref_slice %arg3[%mul3A_4] : memref<128xi32, #tpu.memory_space<hbm>> -> memref<8xi32, #tpu.memory_space<hbm>>
        %dma_wait3A_17 = tpu.memref_slice %arg3[%mul3A_4] : memref<128xi32, #tpu.memory_space<hbm>> -> memref<8xi32, #tpu.memory_space<hbm>>
        tpu.wait_dma2 semaphore(%run_scoped3A : memref<!tpu.dma_semaphore, #tpu.memory_space<semaphore_mem>>) src(%dma_wait3A_17 : memref<8xi32, #tpu.memory_space<hbm>>) dst(%arg10 : memref<8xi32, #tpu.memory_space<vmem>>)
        tpu.yield
      }) : () -> ()
      %dma_start3A = arith.constant 0 : i32
      %dma_start3A_10 = arith.constant 0 : i32
      %dma_start3A_11 = tpu.memref_slice %arg5[%dma_start3A, %dma_start3A_10] : memref<20000x16xf32, #tpu.memory_space<hbm>> -> memref<20000x16xf32, #tpu.memory_space<hbm>>
      tpu.enqueue_indirect_dma source(%dma_start3A_11 : memref<20000x16xf32, #tpu.memory_space<hbm>>) target(%arg11 : memref<8x16xf32, #tpu.memory_space<vmem>>) offsets(%arg10 : memref<8xi32, #tpu.memory_space<vmem>>) semaphore(%arg14 : memref<!tpu.dma_semaphore, #tpu.memory_space<semaphore_mem>>)
      %dma_wait3A = arith.constant 0 : i32
      %dma_wait3A_12 = arith.constant 0 : i32
      %dma_wait3A_13 = tpu.memref_slice %arg5[%dma_wait3A, %dma_wait3A_12] : memref<20000x16xf32, #tpu.memory_space<hbm>> -> memref<20000x16xf32, #tpu.memory_space<hbm>>
      tpu.wait_indirect_dma semaphore(%arg14 : memref<!tpu.dma_semaphore, #tpu.memory_space<semaphore_mem>>) src(%dma_wait3A_13 : memref<20000x16xf32, #tpu.memory_space<hbm>>) dst(%arg11 : memref<8x16xf32, #tpu.memory_space<vmem>>)
      "tpu.region"() ({
        %run_scoped3A = tpu.sem_alloc : memref<!tpu.dma_semaphore, #tpu.memory_space<semaphore_mem>>
        %dma_start3A_14 = arith.constant 0 : i32
        %dma_start3A_15 = tpu.memref_slice %arg8[%mul3A_4, %dma_start3A_14] : memref<128x16xf32, #tpu.memory_space<hbm>> -> memref<8x16xf32, #tpu.memory_space<hbm>>
        %dma_start3A_16 = arith.constant 0 : i32
        %dma_start3A_17 = tpu.memref_slice %arg8[%mul3A_4, %dma_start3A_16] : memref<128x16xf32, #tpu.memory_space<hbm>> -> memref<8x16xf32, #tpu.memory_space<hbm>>
        tpu.enqueue_dma source(%arg11 : memref<8x16xf32, #tpu.memory_space<vmem>>) target(%dma_start3A_17 : memref<8x16xf32, #tpu.memory_space<hbm>>) target_semaphore(%run_scoped3A : memref<!tpu.dma_semaphore, #tpu.memory_space<semaphore_mem>>)
        %dma_wait3A_18 = arith.constant 0 : i32
        %dma_wait3A_19 = tpu.memref_slice %arg8[%mul3A_4, %dma_wait3A_18] : memref<128x16xf32, #tpu.memory_space<hbm>> -> memref<8x16xf32, #tpu.memory_space<hbm>>
        %dma_wait3A_20 = arith.constant 0 : i32
        %dma_wait3A_21 = tpu.memref_slice %arg8[%mul3A_4, %dma_wait3A_20] : memref<128x16xf32, #tpu.memory_space<hbm>> -> memref<8x16xf32, #tpu.memory_space<hbm>>
        tpu.wait_dma2 semaphore(%run_scoped3A : memref<!tpu.dma_semaphore, #tpu.memory_space<semaphore_mem>>) src(%arg11 : memref<8x16xf32, #tpu.memory_space<vmem>>) dst(%dma_wait3A_21 : memref<8x16xf32, #tpu.memory_space<hbm>>)
        tpu.yield
      }) : () -> ()
    } else {
    }
    return
  }
}

module attributes {stable_mosaic.version = 14 : i64} {
  func.func @_select_kernel(%arg0: memref<50x4xf32, #tpu.memory_space<smem>>, %arg1: memref<4x160x128xf32, #tpu.memory_space<vmem>>, %arg2: memref<1x128xi32, #tpu.memory_space<vmem>>, %arg3: memref<1x128xi32, #tpu.memory_space<vmem>>, %arg4: memref<1x128xi32, #tpu.memory_space<vmem>>, %arg5: memref<160x128xf32, #tpu.memory_space<vmem>>, %arg6: memref<160x128xf32, #tpu.memory_space<vmem>>, %arg7: memref<160x128xi32, #tpu.memory_space<vmem>>) attributes {dimension_semantics = [], scalar_prefetch = 0 : i64, scratch_operands = 3 : i64, tpu.core_type = #tpu.core_type<tc>} {
    %get3A = arith.constant 0 : index
    %get3A_0 = arith.constant 0 : index
    %get3A_1 = arith.constant 0 : index
    %get3A_2 = vector.load %arg1[%get3A, %get3A_0, %get3A_1] : memref<4x160x128xf32, #tpu.memory_space<vmem>>, vector<1x160x128xf32>
    %get3A_3 = vector.shape_cast %get3A_2 : vector<1x160x128xf32> to vector<160x128xf32>
    %get3A_4 = arith.constant 1 : index
    %get3A_5 = arith.constant 0 : index
    %get3A_6 = arith.constant 0 : index
    %get3A_7 = vector.load %arg1[%get3A_4, %get3A_5, %get3A_6] : memref<4x160x128xf32, #tpu.memory_space<vmem>>, vector<1x160x128xf32>
    %get3A_8 = vector.shape_cast %get3A_7 : vector<1x160x128xf32> to vector<160x128xf32>
    %get3A_9 = arith.constant 2 : index
    %get3A_10 = arith.constant 0 : index
    %get3A_11 = arith.constant 0 : index
    %get3A_12 = vector.load %arg1[%get3A_9, %get3A_10, %get3A_11] : memref<4x160x128xf32, #tpu.memory_space<vmem>>, vector<1x160x128xf32>
    %get3A_13 = vector.shape_cast %get3A_12 : vector<1x160x128xf32> to vector<160x128xf32>
    %get3A_14 = arith.constant 3 : index
    %get3A_15 = arith.constant 0 : index
    %get3A_16 = arith.constant 0 : index
    %get3A_17 = vector.load %arg1[%get3A_14, %get3A_15, %get3A_16] : memref<4x160x128xf32, #tpu.memory_space<vmem>>, vector<1x160x128xf32>
    %get3A_18 = vector.shape_cast %get3A_17 : vector<1x160x128xf32> to vector<160x128xf32>
    %div3A = arith.constant 2.000000e+00 : f32
    %div3A_19 = vector.broadcast %div3A : f32 to vector<160x128xf32>
    %div3A_20 = arith.divf %get3A_13, %div3A_19 : vector<160x128xf32>
    %sub3A = arith.subf %get3A_3, %div3A_20 : vector<160x128xf32>
    %div3A_21 = arith.constant 2.000000e+00 : f32
    %div3A_22 = vector.broadcast %div3A_21 : f32 to vector<160x128xf32>
    %div3A_23 = arith.divf %get3A_18, %div3A_22 : vector<160x128xf32>
    %sub3A_24 = arith.subf %get3A_8, %div3A_23 : vector<160x128xf32>
    %div3A_25 = arith.constant 2.000000e+00 : f32
    %div3A_26 = vector.broadcast %div3A_25 : f32 to vector<160x128xf32>
    %div3A_27 = arith.divf %get3A_13, %div3A_26 : vector<160x128xf32>
    %add3A = arith.addf %get3A_3, %div3A_27 : vector<160x128xf32>
    %div3A_28 = arith.constant 2.000000e+00 : f32
    %div3A_29 = vector.broadcast %div3A_28 : f32 to vector<160x128xf32>
    %div3A_30 = arith.divf %get3A_18, %div3A_29 : vector<160x128xf32>
    %add3A_31 = arith.addf %get3A_8, %div3A_30 : vector<160x128xf32>
    %sub3A_32 = arith.subf %add3A, %sub3A : vector<160x128xf32>
    %sub3A_33 = arith.subf %add3A_31, %sub3A_24 : vector<160x128xf32>
    %mul3A = arith.mulf %sub3A_32, %sub3A_33 : vector<160x128xf32>
    %broadcast_in_dim3A = arith.constant 0xFF800000 : f32
    %broadcast_in_dim3A_34 = vector.broadcast %broadcast_in_dim3A : f32 to vector<160x128xf32>
    %broadcast_in_dim3A_35 = arith.constant 0 : i32
    %broadcast_in_dim3A_36 = vector.broadcast %broadcast_in_dim3A_35 : i32 to vector<160x128xi32>
    %scan3A = arith.constant 0 : i32
    %scan3A_37 = arith.constant 50 : i32
    %scan3A_38 = arith.addi %scan3A, %scan3A_37 : i32
    %scan3A_39 = arith.constant 1 : i32
    %scan3A_40:2 = scf.for %scan3A_113 = %scan3A to %scan3A_38 step %scan3A_39 iter_args(%scan3A_114 = %broadcast_in_dim3A_34, %scan3A_115 = %broadcast_in_dim3A_36) -> (vector<160x128xf32>, vector<160x128xi32>)  : i32 {
      %get3A_116 = arith.index_cast %scan3A_113 : i32 to index
      %get3A_117 = arith.constant 0 : index
      %get3A_118 = memref.load %arg0[%get3A_116, %get3A_117] : memref<50x4xf32, #tpu.memory_space<smem>>
      %get3A_119 = arith.index_cast %scan3A_113 : i32 to index
      %get3A_120 = arith.constant 1 : index
      %get3A_121 = memref.load %arg0[%get3A_119, %get3A_120] : memref<50x4xf32, #tpu.memory_space<smem>>
      %get3A_122 = arith.index_cast %scan3A_113 : i32 to index
      %get3A_123 = arith.constant 2 : index
      %get3A_124 = memref.load %arg0[%get3A_122, %get3A_123] : memref<50x4xf32, #tpu.memory_space<smem>>
      %get3A_125 = arith.index_cast %scan3A_113 : i32 to index
      %get3A_126 = arith.constant 3 : index
      %get3A_127 = memref.load %arg0[%get3A_125, %get3A_126] : memref<50x4xf32, #tpu.memory_space<smem>>
      %div3A_128 = arith.constant 2.000000e+00 : f32
      %div3A_129 = arith.divf %get3A_124, %div3A_128 : f32
      %sub3A_130 = arith.subf %get3A_118, %div3A_129 : f32
      %div3A_131 = arith.constant 2.000000e+00 : f32
      %div3A_132 = arith.divf %get3A_127, %div3A_131 : f32
      %sub3A_133 = arith.subf %get3A_121, %div3A_132 : f32
      %div3A_134 = arith.constant 2.000000e+00 : f32
      %div3A_135 = arith.divf %get3A_124, %div3A_134 : f32
      %add3A_136 = arith.addf %get3A_118, %div3A_135 : f32
      %div3A_137 = arith.constant 2.000000e+00 : f32
      %div3A_138 = arith.divf %get3A_127, %div3A_137 : f32
      %add3A_139 = arith.addf %get3A_121, %div3A_138 : f32
      %sub3A_140 = arith.subf %add3A_136, %sub3A_130 : f32
      %sub3A_141 = arith.subf %add3A_139, %sub3A_133 : f32
      %mul3A_142 = arith.mulf %sub3A_140, %sub3A_141 : f32
      %min3A = vector.broadcast %add3A_136 : f32 to vector<160x128xf32>
      %min3A_143 = arith.minimumf %add3A, %min3A : vector<160x128xf32>
      %max3A = vector.broadcast %sub3A_130 : f32 to vector<160x128xf32>
      %max3A_144 = arith.maximumf %sub3A, %max3A : vector<160x128xf32>
      %sub3A_145 = arith.subf %min3A_143, %max3A_144 : vector<160x128xf32>
      %max3A_146 = arith.constant 0.000000e+00 : f32
      %max3A_147 = vector.broadcast %max3A_146 : f32 to vector<160x128xf32>
      %max3A_148 = arith.maximumf %sub3A_145, %max3A_147 : vector<160x128xf32>
      %min3A_149 = vector.broadcast %add3A_139 : f32 to vector<160x128xf32>
      %min3A_150 = arith.minimumf %add3A_31, %min3A_149 : vector<160x128xf32>
      %max3A_151 = vector.broadcast %sub3A_133 : f32 to vector<160x128xf32>
      %max3A_152 = arith.maximumf %sub3A_24, %max3A_151 : vector<160x128xf32>
      %sub3A_153 = arith.subf %min3A_150, %max3A_152 : vector<160x128xf32>
      %max3A_154 = arith.constant 0.000000e+00 : f32
      %max3A_155 = vector.broadcast %max3A_154 : f32 to vector<160x128xf32>
      %max3A_156 = arith.maximumf %sub3A_153, %max3A_155 : vector<160x128xf32>
      %mul3A_157 = arith.mulf %max3A_148, %max3A_156 : vector<160x128xf32>
      %add3A_158 = vector.broadcast %mul3A_142 : f32 to vector<160x128xf32>
      %add3A_159 = arith.addf %mul3A, %add3A_158 : vector<160x128xf32>
      %sub3A_160 = arith.subf %add3A_159, %mul3A_157 : vector<160x128xf32>
      %max3A_161 = arith.constant 9.99999993E-9 : f32
      %max3A_162 = vector.broadcast %max3A_161 : f32 to vector<160x128xf32>
      %max3A_163 = arith.maximumf %sub3A_160, %max3A_162 : vector<160x128xf32>
      %div3A_164 = arith.divf %mul3A_157, %max3A_163 : vector<160x128xf32>
      %gt3A = arith.cmpf ogt, %div3A_164, %scan3A_114 : vector<160x128xf32>
      %select_n3A_165 = arith.select %gt3A, %div3A_164, %scan3A_114 : vector<160x128xi1>, vector<160x128xf32>
      %broadcast_in_dim3A_166 = vector.broadcast %scan3A_113 : i32 to vector<160x128xi32>
      %select_n3A_167 = arith.select %gt3A, %broadcast_in_dim3A_166, %scan3A_115 : vector<160x128xi1>, vector<160x128xi32>
      scf.yield %select_n3A_165, %select_n3A_167 : vector<160x128xf32>, vector<160x128xi32>
    }
    %scan3A_41 = arith.constant 50 : i32
    %swap3A = arith.constant 0 : index
    %swap3A_42 = arith.constant 0 : index
    %swap3A_43 = vector.load %arg7[%swap3A, %swap3A_42] : memref<160x128xi32, #tpu.memory_space<vmem>>, vector<160x128xi32>
    tpu.vector_store %arg7[%swap3A, %swap3A_42], %scan3A_40#1 {strides = array<i32>} : memref<160x128xi32, #tpu.memory_space<vmem>>, vector<160x128xi32>,
    %iota3A = tpu.iota {dimensions = array<i32: 1>} : vector<1x128xi32>
    %iota3A_44 = tpu.iota {dimensions = array<i32: 0>} : vector<160x1xi32>
    %mul3A_45 = arith.constant 160 : i32
    %mul3A_46 = vector.broadcast %mul3A_45 : i32 to vector<1x128xi32>
    %mul3A_47 = arith.muli %iota3A, %mul3A_46 : vector<1x128xi32>
    %add3A_48 = vector.broadcast %mul3A_47 : vector<1x128xi32> to vector<160x128xi32>
    %add3A_49 = vector.broadcast %iota3A_44 : vector<160x1xi32> to vector<160x128xi32>
    %add3A_50 = arith.addi %add3A_48, %add3A_49 : vector<160x128xi32>
    %lt3A = arith.constant 20000 : i32
    %lt3A_51 = vector.broadcast %lt3A : i32 to vector<160x128xi32>
    %lt3A_52 = arith.cmpi slt, %add3A_50, %lt3A_51 : vector<160x128xi32>
    %jit3A = arith.constant 0xFF800000 : f32
    %broadcast_in_dim3A_53 = vector.broadcast %jit3A : f32 to vector<160x128xf32>
    %select_n3A = arith.select %lt3A_52, %scan3A_40#0, %broadcast_in_dim3A_53 : vector<160x128xi1>, vector<160x128xf32>
    %swap3A_54 = arith.constant 0 : index
    %swap3A_55 = arith.constant 0 : index
    %swap3A_56 = vector.load %arg5[%swap3A_54, %swap3A_55] : memref<160x128xf32, #tpu.memory_space<vmem>>, vector<160x128xf32>
    tpu.vector_store %arg5[%swap3A_54, %swap3A_55], %select_n3A {strides = array<i32>} : memref<160x128xf32, #tpu.memory_space<vmem>>, vector<160x128xf32>,
    %neg3A = arith.constant 0.000000e+00 : f32
    %neg3A_57 = vector.broadcast %neg3A : f32 to vector<160x128xf32>
    %neg3A_58 = arith.subf %neg3A_57, %scan3A_40#0 : vector<160x128xf32>
    %jit3A_59 = arith.constant 0xFF800000 : f32
    %broadcast_in_dim3A_60 = vector.broadcast %jit3A_59 : f32 to vector<160x128xf32>
    %select_n3A_61 = arith.select %lt3A_52, %neg3A_58, %broadcast_in_dim3A_60 : vector<160x128xi1>, vector<160x128xf32>
    %swap3A_62 = arith.constant 0 : index
    %swap3A_63 = arith.constant 0 : index
    %swap3A_64 = vector.load %arg6[%swap3A_62, %swap3A_63] : memref<160x128xf32, #tpu.memory_space<vmem>>, vector<160x128xf32>
    tpu.vector_store %arg6[%swap3A_62, %swap3A_63], %select_n3A_61 {strides = array<i32>} : memref<160x128xf32, #tpu.memory_space<vmem>>, vector<160x128xf32>,
    %get3A_65 = arith.constant 0 : index
    %get3A_66 = arith.constant 0 : index
    %get3A_67 = vector.load %arg5[%get3A_65, %get3A_66] : memref<160x128xf32, #tpu.memory_space<vmem>>, vector<160x128xf32>
    %reduce_max3A = arith.constant dense<0xFF800000> : vector<128xf32>
    %reduce_max3A_68 = vector.multi_reduction <maximumf>, %get3A_67, %reduce_max3A [0] : vector<160x128xf32> to vector<128xf32>
    %broadcast_in_dim3A_69 = vector.shape_cast %reduce_max3A_68 : vector<128xf32> to vector<1x128xf32>
    %eq3A = vector.broadcast %broadcast_in_dim3A_69 : vector<1x128xf32> to vector<160x128xf32>
    %eq3A_70 = arith.cmpf oeq, %get3A_67, %eq3A : vector<160x128xf32>
    %jit3A_71 = arith.constant 1048576 : i32
    %broadcast_in_dim3A_72 = vector.shape_cast %iota3A_44 : vector<160x1xi32> to vector<160x1xi32>
    %broadcast_in_dim3A_73 = vector.broadcast %broadcast_in_dim3A_72 : vector<160x1xi32> to vector<160x128xi32>
    %broadcast_in_dim3A_74 = vector.broadcast %jit3A_71 : i32 to vector<160x128xi32>
    %select_n3A_75 = arith.select %eq3A_70, %broadcast_in_dim3A_73, %broadcast_in_dim3A_74 : vector<160x128xi1>, vector<160x128xi32>
    %reduce_min3A = arith.constant dense<2147483647> : vector<128xi32>
    %reduce_min3A_76 = vector.multi_reduction <minsi>, %select_n3A_75, %reduce_min3A [0] : vector<160x128xi32> to vector<128xi32>
    %broadcast_in_dim3A_77 = vector.shape_cast %reduce_min3A_76 : vector<128xi32> to vector<1x128xi32>
    %get3A_78 = arith.constant 0 : index
    %get3A_79 = arith.constant 0 : index
    %get3A_80 = vector.load %arg6[%get3A_78, %get3A_79] : memref<160x128xf32, #tpu.memory_space<vmem>>, vector<160x128xf32>
    %reduce_max3A_81 = arith.constant dense<0xFF800000> : vector<128xf32>
    %reduce_max3A_82 = vector.multi_reduction <maximumf>, %get3A_80, %reduce_max3A_81 [0] : vector<160x128xf32> to vector<128xf32>
    %broadcast_in_dim3A_83 = vector.shape_cast %reduce_max3A_82 : vector<128xf32> to vector<1x128xf32>
    %eq3A_84 = vector.broadcast %broadcast_in_dim3A_83 : vector<1x128xf32> to vector<160x128xf32>
    %eq3A_85 = arith.cmpf oeq, %get3A_80, %eq3A_84 : vector<160x128xf32>
    %jit3A_86 = arith.constant 1048576 : i32
    %broadcast_in_dim3A_87 = vector.shape_cast %iota3A_44 : vector<160x1xi32> to vector<160x1xi32>
    %broadcast_in_dim3A_88 = vector.broadcast %broadcast_in_dim3A_87 : vector<160x1xi32> to vector<160x128xi32>
    %broadcast_in_dim3A_89 = vector.broadcast %jit3A_86 : i32 to vector<160x128xi32>
    %select_n3A_90 = arith.select %eq3A_85, %broadcast_in_dim3A_88, %broadcast_in_dim3A_89 : vector<160x128xi1>, vector<160x128xi32>
    %reduce_min3A_91 = arith.constant dense<2147483647> : vector<128xi32>
    %reduce_min3A_92 = vector.multi_reduction <minsi>, %select_n3A_90, %reduce_min3A_91 [0] : vector<160x128xi32> to vector<128xi32>
    %broadcast_in_dim3A_93 = vector.shape_cast %reduce_min3A_92 : vector<128xi32> to vector<1x128xi32>
    %broadcast_in_dim3A_94 = arith.constant 0 : i32
    %broadcast_in_dim3A_95 = vector.broadcast %broadcast_in_dim3A_94 : i32 to vector<1x128xi32>
    %scan3A_96 = arith.constant 1048576 : i32
    %scan3A_97 = arith.constant 0xFF800000 : f32
    %scan3A_98 = arith.constant 0 : i32
    %scan3A_99 = arith.constant 128 : i32
    %scan3A_100 = arith.addi %scan3A_98, %scan3A_99 : i32
    %scan3A_101 = arith.constant 1 : i32
    %scan3A_102:7 = scf.for %scan3A_113 = %scan3A_98 to %scan3A_100 step %scan3A_101 iter_args(%scan3A_114 = %broadcast_in_dim3A_69, %scan3A_115 = %broadcast_in_dim3A_77, %scan3A_116 = %broadcast_in_dim3A_83, %scan3A_117 = %broadcast_in_dim3A_93, %scan3A_118 = %broadcast_in_dim3A_95, %scan3A_119 = %broadcast_in_dim3A_95, %scan3A_120 = %broadcast_in_dim3A_95) -> (vector<1x128xf32>, vector<1x128xi32>, vector<1x128xf32>, vector<1x128xi32>, vector<1x128xi32>, vector<1x128xi32>, vector<1x128xi32>)  : i32 {
      %reduce_max3A_121 = arith.constant dense<0xFF800000> : vector<1xf32>
      %reduce_max3A_122 = vector.multi_reduction <maximumf>, %scan3A_114, %reduce_max3A_121 [1] : vector<1x128xf32> to vector<1xf32>
      %broadcast_in_dim3A_123 = vector.shape_cast %reduce_max3A_122 : vector<1xf32> to vector<1x1xf32>
      %eq3A_124 = vector.broadcast %broadcast_in_dim3A_123 : vector<1x1xf32> to vector<1x128xf32>
      %eq3A_125 = arith.cmpf oeq, %scan3A_114, %eq3A_124 : vector<1x128xf32>
      %mul3A_126 = arith.constant 1024 : i32
      %mul3A_127 = vector.broadcast %mul3A_126 : i32 to vector<1x128xi32>
      %mul3A_128 = arith.muli %iota3A, %mul3A_127 : vector<1x128xi32>
      %add3A_129 = arith.addi %mul3A_128, %scan3A_115 : vector<1x128xi32>
      %broadcast_in_dim3A_130 = vector.broadcast %scan3A_96 : i32 to vector<1x128xi32>
      %select_n3A_131 = arith.select %eq3A_125, %add3A_129, %broadcast_in_dim3A_130 : vector<1x128xi1>, vector<1x128xi32>
      %reduce_min3A_132 = arith.constant dense<2147483647> : vector<1xi32>
      %reduce_min3A_133 = vector.multi_reduction <minsi>, %select_n3A_131, %reduce_min3A_132 [1] : vector<1x128xi32> to vector<1xi32>
      %broadcast_in_dim3A_134 = vector.shape_cast %reduce_min3A_133 : vector<1xi32> to vector<1x1xi32>
      %jit3A_135 = arith.constant 1024 : i32
      %div3A_136 = vector.broadcast %jit3A_135 : i32 to vector<1x1xi32>
      %div3A_137 = arith.divsi %broadcast_in_dim3A_134, %div3A_136 : vector<1x1xi32>
      %sign3A = arith.constant 0 : i32
      %sign3A_138 = vector.broadcast %sign3A : i32 to vector<1x1xi32>
      %sign3A_139 = arith.cmpi sgt, %broadcast_in_dim3A_134, %sign3A_138 : vector<1x1xi32>
      %sign3A_140 = arith.extui %sign3A_139 : vector<1x1xi1> to vector<1x1xi32>
      %sign3A_141 = arith.constant 0 : i32
      %sign3A_142 = vector.broadcast %sign3A_141 : i32 to vector<1x1xi32>
      %sign3A_143 = arith.cmpi slt, %broadcast_in_dim3A_134, %sign3A_142 : vector<1x1xi32>
      %sign3A_144 = arith.extui %sign3A_143 : vector<1x1xi1> to vector<1x1xi32>
      %sign3A_145 = arith.subi %sign3A_140, %sign3A_144 : vector<1x1xi32>
      %sign3A_146 = arith.constant 0 : i32
      %sign3A_147 = arith.cmpi sgt, %jit3A_135, %sign3A_146 : i32
      %sign3A_148 = arith.extui %sign3A_147 : i1 to i32
      %sign3A_149 = arith.constant 0 : i32
      %sign3A_150 = arith.cmpi slt, %jit3A_135, %sign3A_149 : i32
      %sign3A_151 = arith.extui %sign3A_150 : i1 to i32
      %sign3A_152 = arith.subi %sign3A_148, %sign3A_151 : i32
      %ne3A = vector.broadcast %sign3A_152 : i32 to vector<1x1xi32>
      %ne3A_153 = arith.cmpi ne, %sign3A_145, %ne3A : vector<1x1xi32>
      %rem3A = vector.broadcast %jit3A_135 : i32 to vector<1x1xi32>
      %rem3A_154 = arith.remsi %broadcast_in_dim3A_134, %rem3A : vector<1x1xi32>
      %ne3A_155 = arith.constant 0 : i32
      %ne3A_156 = vector.broadcast %ne3A_155 : i32 to vector<1x1xi32>
      %ne3A_157 = arith.cmpi ne, %rem3A_154, %ne3A_156 : vector<1x1xi32>
      %and3A = arith.andi %ne3A_153, %ne3A_157 : vector<1x1xi1>
      %sub3A_158 = arith.constant 1 : i32
      %sub3A_159 = vector.broadcast %sub3A_158 : i32 to vector<1x1xi32>
      %sub3A_160 = arith.subi %div3A_137, %sub3A_159 : vector<1x1xi32>
      %select_n3A_161 = arith.select %and3A, %sub3A_160, %div3A_137 : vector<1x1xi1>, vector<1x1xi32>
      %jit3A_162 = arith.constant 1024 : i32
      %eq3A_163 = arith.constant 0 : i32
      %eq3A_164 = arith.cmpi eq, %jit3A_162, %eq3A_163 : i32
      %jit3A_165 = arith.constant 1 : i32
      %select_n3A_166 = arith.select %eq3A_164, %jit3A_165, %jit3A_162 : i32
      %rem3A_167 = vector.broadcast %select_n3A_166 : i32 to vector<1x1xi32>
      %rem3A_168 = arith.remsi %broadcast_in_dim3A_134, %rem3A_167 : vector<1x1xi32>
      %ne3A_169 = arith.constant 0 : i32
      %ne3A_170 = vector.broadcast %ne3A_169 : i32 to vector<1x1xi32>
      %ne3A_171 = arith.cmpi ne, %rem3A_168, %ne3A_170 : vector<1x1xi32>
      %lt3A_172 = arith.constant 0 : i32
      %lt3A_173 = vector.broadcast %lt3A_172 : i32 to vector<1x1xi32>
      %lt3A_174 = arith.cmpi slt, %rem3A_168, %lt3A_173 : vector<1x1xi32>
      %lt3A_175 = arith.constant 0 : i32
      %lt3A_176 = arith.cmpi slt, %select_n3A_166, %lt3A_175 : i32
      %ne3A_177 = vector.broadcast %lt3A_176 : i1 to vector<1x1xi1>
      %ne3A_178 = vector.broadcast %ne3A_177 : vector<1x1xi1> to vector<1x1xi1>
      %ne3A_179 = arith.xori %lt3A_174, %ne3A_178 : vector<1x1xi1>
      %and3A_180 = arith.andi %ne3A_179, %ne3A_171 : vector<1x1xi1>
      %add3A_181 = vector.broadcast %select_n3A_166 : i32 to vector<1x1xi32>
      %add3A_182 = arith.addi %rem3A_168, %add3A_181 : vector<1x1xi32>
      %select_n3A_183 = arith.select %and3A_180, %add3A_182, %rem3A_168 : vector<1x1xi1>, vector<1x1xi32>
      %eq3A_184 = vector.broadcast %select_n3A_161 : vector<1x1xi32> to vector<1x128xi32>
      %eq3A_185 = arith.cmpi eq, %iota3A, %eq3A_184 : vector<1x128xi32>
      %eq3A_186 = vector.broadcast %select_n3A_183 : vector<1x1xi32> to vector<160x1xi32>
      %eq3A_187 = arith.cmpi eq, %iota3A_44, %eq3A_186 : vector<160x1xi32>
      %and3A_188 = vector.broadcast %eq3A_185 : vector<1x128xi1> to vector<160x128xi1>
      %and3A_189 = vector.broadcast %eq3A_187 : vector<160x1xi1> to vector<160x128xi1>
      %and3A_190 = arith.andi %and3A_188, %and3A_189 : vector<160x128xi1>
      %get3A_191 = arith.constant 0 : index
      %get3A_192 = arith.constant 0 : index
      %get3A_193 = vector.load %arg5[%get3A_191, %get3A_192] : memref<160x128xf32, #tpu.memory_space<vmem>>, vector<160x128xf32>
      %broadcast_in_dim3A_194 = vector.broadcast %scan3A_97 : f32 to vector<160x128xf32>
      %select_n3A_195 = arith.select %and3A_190, %broadcast_in_dim3A_194, %get3A_193 : vector<160x128xi1>, vector<160x128xf32>
      %swap3A_196 = arith.constant 0 : index
      %swap3A_197 = arith.constant 0 : index
      %swap3A_198 = vector.load %arg5[%swap3A_196, %swap3A_197] : memref<160x128xf32, #tpu.memory_space<vmem>>, vector<160x128xf32>
      tpu.vector_store %arg5[%swap3A_196, %swap3A_197], %select_n3A_195 {strides = array<i32>} : memref<160x128xf32, #tpu.memory_space<vmem>>, vector<160x128xf32>,
      %broadcast_in_dim3A_199 = vector.shape_cast %eq3A_185 : vector<1x128xi1> to vector<1x128xi1>
      %broadcast_in_dim3A_200 = vector.broadcast %broadcast_in_dim3A_199 : vector<1x128xi1> to vector<160x128xi1>
      %broadcast_in_dim3A_201 = vector.broadcast %scan3A_97 : f32 to vector<160x128xf32>
      %select_n3A_202 = arith.select %broadcast_in_dim3A_200, %select_n3A_195, %broadcast_in_dim3A_201 : vector<160x128xi1>, vector<160x128xf32>
      %reduce_max3A_203 = arith.constant dense<0xFF800000> : vector<128xf32>
      %reduce_max3A_204 = vector.multi_reduction <maximumf>, %select_n3A_202, %reduce_max3A_203 [0] : vector<160x128xf32> to vector<128xf32>
      %broadcast_in_dim3A_205 = vector.shape_cast %reduce_max3A_204 : vector<128xf32> to vector<1x128xf32>
      %eq3A_206 = vector.broadcast %broadcast_in_dim3A_205 : vector<1x128xf32> to vector<160x128xf32>
      %eq3A_207 = arith.cmpf oeq, %select_n3A_202, %eq3A_206 : vector<160x128xf32>
      %broadcast_in_dim3A_208 = vector.shape_cast %iota3A_44 : vector<160x1xi32> to vector<160x1xi32>
      %broadcast_in_dim3A_209 = vector.broadcast %broadcast_in_dim3A_208 : vector<160x1xi32> to vector<160x128xi32>
      %broadcast_in_dim3A_210 = vector.broadcast %scan3A_96 : i32 to vector<160x128xi32>
      %select_n3A_211 = arith.select %eq3A_207, %broadcast_in_dim3A_209, %broadcast_in_dim3A_210 : vector<160x128xi1>, vector<160x128xi32>
      %reduce_min3A_212 = arith.constant dense<2147483647> : vector<128xi32>
      %reduce_min3A_213 = vector.multi_reduction <minsi>, %select_n3A_211, %reduce_min3A_212 [0] : vector<160x128xi32> to vector<128xi32>
      %broadcast_in_dim3A_214 = vector.shape_cast %reduce_min3A_213 : vector<128xi32> to vector<1x128xi32>
      %select_n3A_215 = arith.select %eq3A_185, %broadcast_in_dim3A_205, %scan3A_114 : vector<1x128xi1>, vector<1x128xf32>
      %select_n3A_216 = arith.select %eq3A_185, %broadcast_in_dim3A_214, %scan3A_115 : vector<1x128xi1>, vector<1x128xi32>
      %mul3A_217 = arith.constant 160 : i32
      %mul3A_218 = vector.broadcast %mul3A_217 : i32 to vector<1x1xi32>
      %mul3A_219 = arith.muli %select_n3A_161, %mul3A_218 : vector<1x1xi32>
      %add3A_220 = arith.addi %mul3A_219, %select_n3A_183 : vector<1x1xi32>
      %reduce_max3A_221 = arith.constant dense<0xFF800000> : vector<1xf32>
      %reduce_max3A_222 = vector.multi_reduction <maximumf>, %scan3A_116, %reduce_max3A_221 [1] : vector<1x128xf32> to vector<1xf32>
      %broadcast_in_dim3A_223 = vector.shape_cast %reduce_max3A_222 : vector<1xf32> to vector<1x1xf32>
      %eq3A_224 = vector.broadcast %broadcast_in_dim3A_223 : vector<1x1xf32> to vector<1x128xf32>
      %eq3A_225 = arith.cmpf oeq, %scan3A_116, %eq3A_224 : vector<1x128xf32>
      %mul3A_226 = arith.constant 1024 : i32
      %mul3A_227 = vector.broadcast %mul3A_226 : i32 to vector<1x128xi32>
      %mul3A_228 = arith.muli %iota3A, %mul3A_227 : vector<1x128xi32>
      %add3A_229 = arith.addi %mul3A_228, %scan3A_117 : vector<1x128xi32>
      %broadcast_in_dim3A_230 = vector.broadcast %scan3A_96 : i32 to vector<1x128xi32>
      %select_n3A_231 = arith.select %eq3A_225, %add3A_229, %broadcast_in_dim3A_230 : vector<1x128xi1>, vector<1x128xi32>
      %reduce_min3A_232 = arith.constant dense<2147483647> : vector<1xi32>
      %reduce_min3A_233 = vector.multi_reduction <minsi>, %select_n3A_231, %reduce_min3A_232 [1] : vector<1x128xi32> to vector<1xi32>
      %broadcast_in_dim3A_234 = vector.shape_cast %reduce_min3A_233 : vector<1xi32> to vector<1x1xi32>
      %jit3A_235 = arith.constant 1024 : i32
      %div3A_236 = vector.broadcast %jit3A_235 : i32 to vector<1x1xi32>
      %div3A_237 = arith.divsi %broadcast_in_dim3A_234, %div3A_236 : vector<1x1xi32>
      %sign3A_238 = arith.constant 0 : i32
      %sign3A_239 = vector.broadcast %sign3A_238 : i32 to vector<1x1xi32>
      %sign3A_240 = arith.cmpi sgt, %broadcast_in_dim3A_234, %sign3A_239 : vector<1x1xi32>
      %sign3A_241 = arith.extui %sign3A_240 : vector<1x1xi1> to vector<1x1xi32>
      %sign3A_242 = arith.constant 0 : i32
      %sign3A_243 = vector.broadcast %sign3A_242 : i32 to vector<1x1xi32>
      %sign3A_244 = arith.cmpi slt, %broadcast_in_dim3A_234, %sign3A_243 : vector<1x1xi32>
      %sign3A_245 = arith.extui %sign3A_244 : vector<1x1xi1> to vector<1x1xi32>
      %sign3A_246 = arith.subi %sign3A_241, %sign3A_245 : vector<1x1xi32>
      %sign3A_247 = arith.constant 0 : i32
      %sign3A_248 = arith.cmpi sgt, %jit3A_235, %sign3A_247 : i32
      %sign3A_249 = arith.extui %sign3A_248 : i1 to i32
      %sign3A_250 = arith.constant 0 : i32
      %sign3A_251 = arith.cmpi slt, %jit3A_235, %sign3A_250 : i32
      %sign3A_252 = arith.extui %sign3A_251 : i1 to i32
      %sign3A_253 = arith.subi %sign3A_249, %sign3A_252 : i32
      %ne3A_254 = vector.broadcast %sign3A_253 : i32 to vector<1x1xi32>
      %ne3A_255 = arith.cmpi ne, %sign3A_246, %ne3A_254 : vector<1x1xi32>
      %rem3A_256 = vector.broadcast %jit3A_235 : i32 to vector<1x1xi32>
      %rem3A_257 = arith.remsi %broadcast_in_dim3A_234, %rem3A_256 : vector<1x1xi32>
      %ne3A_258 = arith.constant 0 : i32
      %ne3A_259 = vector.broadcast %ne3A_258 : i32 to vector<1x1xi32>
      %ne3A_260 = arith.cmpi ne, %rem3A_257, %ne3A_259 : vector<1x1xi32>
      %and3A_261 = arith.andi %ne3A_255, %ne3A_260 : vector<1x1xi1>
      %sub3A_262 = arith.constant 1 : i32
      %sub3A_263 = vector.broadcast %sub3A_262 : i32 to vector<1x1xi32>
      %sub3A_264 = arith.subi %div3A_237, %sub3A_263 : vector<1x1xi32>
      %select_n3A_265 = arith.select %and3A_261, %sub3A_264, %div3A_237 : vector<1x1xi1>, vector<1x1xi32>
      %jit3A_266 = arith.constant 1024 : i32
      %eq3A_267 = arith.constant 0 : i32
      %eq3A_268 = arith.cmpi eq, %jit3A_266, %eq3A_267 : i32
      %jit3A_269 = arith.constant 1 : i32
      %select_n3A_270 = arith.select %eq3A_268, %jit3A_269, %jit3A_266 : i32
      %rem3A_271 = vector.broadcast %select_n3A_270 : i32 to vector<1x1xi32>
      %rem3A_272 = arith.remsi %broadcast_in_dim3A_234, %rem3A_271 : vector<1x1xi32>
      %ne3A_273 = arith.constant 0 : i32
      %ne3A_274 = vector.broadcast %ne3A_273 : i32 to vector<1x1xi32>
      %ne3A_275 = arith.cmpi ne, %rem3A_272, %ne3A_274 : vector<1x1xi32>
      %lt3A_276 = arith.constant 0 : i32
      %lt3A_277 = vector.broadcast %lt3A_276 : i32 to vector<1x1xi32>
      %lt3A_278 = arith.cmpi slt, %rem3A_272, %lt3A_277 : vector<1x1xi32>
      %lt3A_279 = arith.constant 0 : i32
      %lt3A_280 = arith.cmpi slt, %select_n3A_270, %lt3A_279 : i32
      %ne3A_281 = vector.broadcast %lt3A_280 : i1 to vector<1x1xi1>
      %ne3A_282 = vector.broadcast %ne3A_281 : vector<1x1xi1> to vector<1x1xi1>
      %ne3A_283 = arith.xori %lt3A_278, %ne3A_282 : vector<1x1xi1>
      %and3A_284 = arith.andi %ne3A_283, %ne3A_275 : vector<1x1xi1>
      %add3A_285 = vector.broadcast %select_n3A_270 : i32 to vector<1x1xi32>
      %add3A_286 = arith.addi %rem3A_272, %add3A_285 : vector<1x1xi32>
      %select_n3A_287 = arith.select %and3A_284, %add3A_286, %rem3A_272 : vector<1x1xi1>, vector<1x1xi32>
      %eq3A_288 = vector.broadcast %select_n3A_265 : vector<1x1xi32> to vector<1x128xi32>
      %eq3A_289 = arith.cmpi eq, %iota3A, %eq3A_288 : vector<1x128xi32>
      %eq3A_290 = vector.broadcast %select_n3A_287 : vector<1x1xi32> to vector<160x1xi32>
      %eq3A_291 = arith.cmpi eq, %iota3A_44, %eq3A_290 : vector<160x1xi32>
      %and3A_292 = vector.broadcast %eq3A_289 : vector<1x128xi1> to vector<160x128xi1>
      %and3A_293 = vector.broadcast %eq3A_291 : vector<160x1xi1> to vector<160x128xi1>
      %and3A_294 = arith.andi %and3A_292, %and3A_293 : vector<160x128xi1>
      %get3A_295 = arith.constant 0 : index
      %get3A_296 = arith.constant 0 : index
      %get3A_297 = vector.load %arg6[%get3A_295, %get3A_296] : memref<160x128xf32, #tpu.memory_space<vmem>>, vector<160x128xf32>
      %broadcast_in_dim3A_298 = vector.broadcast %scan3A_97 : f32 to vector<160x128xf32>
      %select_n3A_299 = arith.select %and3A_294, %broadcast_in_dim3A_298, %get3A_297 : vector<160x128xi1>, vector<160x128xf32>
      %swap3A_300 = arith.constant 0 : index
      %swap3A_301 = arith.constant 0 : index
      %swap3A_302 = vector.load %arg6[%swap3A_300, %swap3A_301] : memref<160x128xf32, #tpu.memory_space<vmem>>, vector<160x128xf32>
      tpu.vector_store %arg6[%swap3A_300, %swap3A_301], %select_n3A_299 {strides = array<i32>} : memref<160x128xf32, #tpu.memory_space<vmem>>, vector<160x128xf32>,
      %broadcast_in_dim3A_303 = vector.shape_cast %eq3A_289 : vector<1x128xi1> to vector<1x128xi1>
      %broadcast_in_dim3A_304 = vector.broadcast %broadcast_in_dim3A_303 : vector<1x128xi1> to vector<160x128xi1>
      %broadcast_in_dim3A_305 = vector.broadcast %scan3A_97 : f32 to vector<160x128xf32>
      %select_n3A_306 = arith.select %broadcast_in_dim3A_304, %select_n3A_299, %broadcast_in_dim3A_305 : vector<160x128xi1>, vector<160x128xf32>
      %reduce_max3A_307 = arith.constant dense<0xFF800000> : vector<128xf32>
      %reduce_max3A_308 = vector.multi_reduction <maximumf>, %select_n3A_306, %reduce_max3A_307 [0] : vector<160x128xf32> to vector<128xf32>
      %broadcast_in_dim3A_309 = vector.shape_cast %reduce_max3A_308 : vector<128xf32> to vector<1x128xf32>
      %eq3A_310 = vector.broadcast %broadcast_in_dim3A_309 : vector<1x128xf32> to vector<160x128xf32>
      %eq3A_311 = arith.cmpf oeq, %select_n3A_306, %eq3A_310 : vector<160x128xf32>
      %broadcast_in_dim3A_312 = vector.shape_cast %iota3A_44 : vector<160x1xi32> to vector<160x1xi32>
      %broadcast_in_dim3A_313 = vector.broadcast %broadcast_in_dim3A_312 : vector<160x1xi32> to vector<160x128xi32>
      %broadcast_in_dim3A_314 = vector.broadcast %scan3A_96 : i32 to vector<160x128xi32>
      %select_n3A_315 = arith.select %eq3A_311, %broadcast_in_dim3A_313, %broadcast_in_dim3A_314 : vector<160x128xi1>, vector<160x128xi32>
      %reduce_min3A_316 = arith.constant dense<2147483647> : vector<128xi32>
      %reduce_min3A_317 = vector.multi_reduction <minsi>, %select_n3A_315, %reduce_min3A_316 [0] : vector<160x128xi32> to vector<128xi32>
      %broadcast_in_dim3A_318 = vector.shape_cast %reduce_min3A_317 : vector<128xi32> to vector<1x128xi32>
      %select_n3A_319 = arith.select %eq3A_289, %broadcast_in_dim3A_309, %scan3A_116 : vector<1x128xi1>, vector<1x128xf32>
      %select_n3A_320 = arith.select %eq3A_289, %broadcast_in_dim3A_318, %scan3A_117 : vector<1x128xi1>, vector<1x128xi32>
      %mul3A_321 = arith.constant 160 : i32
      %mul3A_322 = vector.broadcast %mul3A_321 : i32 to vector<1x1xi32>
      %mul3A_323 = arith.muli %select_n3A_265, %mul3A_322 : vector<1x1xi32>
      %add3A_324 = arith.addi %mul3A_323, %select_n3A_287 : vector<1x1xi32>
      %get3A_325 = arith.constant 0 : index
      %get3A_326 = arith.constant 0 : index
      %get3A_327 = vector.load %arg7[%get3A_325, %get3A_326] : memref<160x128xi32, #tpu.memory_space<vmem>>, vector<160x128xi32>
      %jit3A_328 = arith.constant -1 : i32
      %broadcast_in_dim3A_329 = vector.broadcast %jit3A_328 : i32 to vector<160x128xi32>
      %select_n3A_330 = arith.select %and3A_190, %get3A_327, %broadcast_in_dim3A_329 : vector<160x128xi1>, vector<160x128xi32>
      %reduce_max3A_331 = arith.constant dense<-2147483648> : vector<128xi32>
      %reduce_max3A_332 = vector.multi_reduction <maxsi>, %select_n3A_330, %reduce_max3A_331 [0] : vector<160x128xi32> to vector<128xi32>
      %broadcast_in_dim3A_333 = vector.shape_cast %reduce_max3A_332 : vector<128xi32> to vector<1x128xi32>
      %reduce_max3A_334 = arith.constant dense<-2147483648> : vector<1xi32>
      %reduce_max3A_335 = vector.multi_reduction <maxsi>, %broadcast_in_dim3A_333, %reduce_max3A_334 [1] : vector<1x128xi32> to vector<1xi32>
      %broadcast_in_dim3A_336 = vector.shape_cast %reduce_max3A_335 : vector<1xi32> to vector<1x1xi32>
      %eq3A_337 = vector.broadcast %scan3A_113 : i32 to vector<1x128xi32>
      %eq3A_338 = arith.cmpi eq, %iota3A, %eq3A_337 : vector<1x128xi32>
      %broadcast_in_dim3A_339 = vector.shape_cast %add3A_220 : vector<1x1xi32> to vector<1x1xi32>
      %broadcast_in_dim3A_340 = vector.broadcast %broadcast_in_dim3A_339 : vector<1x1xi32> to vector<1x128xi32>
      %select_n3A_341 = arith.select %eq3A_338, %broadcast_in_dim3A_340, %scan3A_118 : vector<1x128xi1>, vector<1x128xi32>
      %broadcast_in_dim3A_342 = vector.shape_cast %add3A_324 : vector<1x1xi32> to vector<1x1xi32>
      %broadcast_in_dim3A_343 = vector.broadcast %broadcast_in_dim3A_342 : vector<1x1xi32> to vector<1x128xi32>
      %select_n3A_344 = arith.select %eq3A_338, %broadcast_in_dim3A_343, %scan3A_119 : vector<1x128xi1>, vector<1x128xi32>
      %broadcast_in_dim3A_345 = vector.shape_cast %broadcast_in_dim3A_336 : vector<1x1xi32> to vector<1x1xi32>
      %broadcast_in_dim3A_346 = vector.broadcast %broadcast_in_dim3A_345 : vector<1x1xi32> to vector<1x128xi32>
      %select_n3A_347 = arith.select %eq3A_338, %broadcast_in_dim3A_346, %scan3A_120 : vector<1x128xi1>, vector<1x128xi32>
      scf.yield %select_n3A_215, %select_n3A_216, %select_n3A_319, %select_n3A_320, %select_n3A_341, %select_n3A_344, %select_n3A_347 : vector<1x128xf32>, vector<1x128xi32>, vector<1x128xf32>, vector<1x128xi32>, vector<1x128xi32>, vector<1x128xi32>, vector<1x128xi32>
    }
    %scan3A_103 = arith.constant 128 : i32
    %swap3A_104 = arith.constant 0 : index
    %swap3A_105 = arith.constant 0 : index
    %swap3A_106 = vector.load %arg2[%swap3A_104, %swap3A_105] : memref<1x128xi32, #tpu.memory_space<vmem>>, vector<1x128xi32>
    tpu.vector_store %arg2[%swap3A_104, %swap3A_105], %scan3A_102#4 {strides = array<i32>} : memref<1x128xi32, #tpu.memory_space<vmem>>, vector<1x128xi32>,
    %swap3A_107 = arith.constant 0 : index
    %swap3A_108 = arith.constant 0 : index
    %swap3A_109 = vector.load %arg3[%swap3A_107, %swap3A_108] : memref<1x128xi32, #tpu.memory_space<vmem>>, vector<1x128xi32>
    tpu.vector_store %arg3[%swap3A_107, %swap3A_108], %scan3A_102#5 {strides = array<i32>} : memref<1x128xi32, #tpu.memory_space<vmem>>, vector<1x128xi32>,
    %swap3A_110 = arith.constant 0 : index
    %swap3A_111 = arith.constant 0 : index
    %swap3A_112 = vector.load %arg4[%swap3A_110, %swap3A_111] : memref<1x128xi32, #tpu.memory_space<vmem>>, vector<1x128xi32>
    tpu.vector_store %arg4[%swap3A_110, %swap3A_111], %scan3A_102#6 {strides = array<i32>} : memref<1x128xi32, #tpu.memory_space<vmem>>, vector<1x128xi32>,
    return
  }
}

</mosaic_0001>

<sc_bundles>
// kernel: kernel.4.cloned.1.call-start
scs
__scs_entry_jumppad:
0x0: {  	(pc) =	sbr.rel $0x88, $3  }
0x1: {  	(tag) =	ssettag $0x0;
	lr =	simm.s32 $0x1  }
0x2: {  	[smem:$0x3F9B] =	sst lr;
	_ =	strace $0xD0000000  }
0x3: {  	_ = 	snop  }
0x4: {  	_ = 	snop  }
0x5: {  	_ = 	snop  }
0x6: {  	_ = 	snop  }
0x7: {  	_ = 	snop  }
__scs_overlays_trampoline_lowered:
0x8: {  	[smem:$0x3FAA] =	sst s0  }
0x9: {  	[smem:$0x3FAB] =	sst s1  }
0xa: {  	[smem:$0x3FAC] =	sst s2  }
0xb: {  	[smem:$0x3FAD] =	sst s3  }
0xc: {  	[smem:$0x3FAE] =	sst s4  }
0xd: {  	[smem:$0x3FAF] =	sst s5  }
0xe: {  	[smem:$0x3FB0] =	sst s6  }
0xf: {  	[smem:$0x3FB1] =	sst s7  }
0x10: {  	[smem:$0x3FB2] =	sst s8  }
0x11: {  	[smem:$0x3FB3] =	sst s9;
	s0 =	simm.s32 @!p0 $0x0  }
0x12: {  	s1 =	sld [smem:$0x3F99];
	s0 =	simm.s32 @p0 $0x1  }
0x13: {  	[smem:$0x3FB4] =	sst s0;
	s0 =	simm.s32 @!p1 $0x0  }
0x14: {  	s2 =	sld [smem:$0x3F98];
	s0 =	simm.s32 @p1 $0x1  }
0x15: {  	[smem:$0x3FB5] =	sst s0;
	s0 =	simm.s32 @!p2 $0x0  }
0x16: {  	s3 =	sld [smem:$0x3FDB];
	s0 =	simm.s32 @p2 $0x1  }
0x17: {  	s4 =	simm.s32 $0x1BF5;
	[smem:$0x3FB7] =	sst s0  }
0x18: {  	s0 =	sld [smem:$0x3F9A];
	_ =	swait.ge [sflag:s4], $0x0  }
0x19: {  	s7 =	sld [smem:$0x3F9B]  }
0x1a: {  	s8 =	sadd.s32 $0xFFFFE003, lr  }
0x1b: {  	s9 =	sadd.s32 $0xFFFFFEF7, lr;
	s5 =	simm.s32 $0xFFFFFFFF;
	p2 =	slt.u32 s8, $0xFFFFF086  }
0x1c: {  	p1 =	slt.u32 s9, $0xF7A;
	s5 =	simm.s32 @!p2 $0x0  }
0x1d: {  	s5 =	simm.s32 @p1 $0x1;
	p0 =	seq.s32 s7, s2  }
0x1e: {  	s7 =	smul.u32 @!p0 $0xF7A, s2;
	p2 =	seq.s32 @!p0 s5, $0x0  }
0x1f: {  	s9 =	smul.u32 $0xF7A, s1;
	s8 =	simm.s32 @!p0 $0x1BF5;
	p2 =	por !p2, p0  }
0x20: {  	[sflag:s8] =	ssyncset.s32 @!p0 $0xFFFFF086;
	s6 =	sadd.s32 @!p0 s3, s7;
	s7 =	simm.s32 @!p0 $0x108  }
0x21: {  	s3 =	sadd.s32 s3, s9;
	s6 =	sadd.s32 @!p0 $0x88, s6;
	s7 =	simm.s32 @p2 $0x1082  }
0x22: {  	[simem:s7], [sflag:s8] =	dma.local @!p0 [hbm:s6], $0xF7A  }
0x23: {  	s9 =	sor.u32 $0xD0000000, s2;
	s6 =	simm.s32 $0x108;
	_ =	swait.ge @!p0 [sflag:s8], $0x0  }
0x24: {  	s3 =	sadd.s32 $0x88, s3;
	s6 =	simm.s32 @!p1 $0x1082;
	[sflag:s4] =	ssyncset.s32 $0xFFFFF086  }
0x25: {  	[simem:s6], [sflag:s4] =	dma.local [hbm:s3], $0xF7A  }
0x26: {  	[smem:$0x3F9B] =	sst s1;
	(tag) =	ssettag s2;
	_ =	strace s9  }
0x27: {  	s1 =	sld [smem:$0x3FAB]  }
0x28: {  	s2 =	sld [smem:$0x3FAC]  }
0x29: {  	s4 =	sld [smem:$0x3FAE]  }
0x2a: {  	p0 =	seq.s32 s5, $0x0;
	s5 =	sld [smem:$0x3FAF]  }
0x2b: {  	s6 =	sld [smem:$0x3FB0]  }
0x2c: {  	s7 =	sld [smem:$0x3FB1]  }
0x2d: {  	s3 =	simm.s32 $0x108;
	s8 =	sld [smem:$0x3FB2]  }
0x2e: {  	s3 =	simm.s32 @!p0 $0x1082;
	s9 =	sld [smem:$0x3FB3]  }
0x2f: {  	lr =	sadd.s32 s0, s3;
	s0 =	sld [smem:$0x3FAA]  }
0x30: {  	s3 =	sld [smem:$0x3FAD]  }
0x31: {  	[smem:$0x3FB6] =	sst s10  }
0x32: {  	s10 =	sld [smem:$0x3FB4];
	_ =	sdelay $0x3  }
0x33: {  	p0 =	seq.s32 s10, $0x1;
	s10 =	sld [smem:$0x3FB6];
	_ =	sdelay $0x3  }
0x34: {  	[smem:$0x3FB6] =	sst s10  }
0x35: {  	s10 =	sld [smem:$0x3FB5];
	_ =	sdelay $0x3  }
0x36: {  	p1 =	seq.s32 s10, $0x1;
	s10 =	sld [smem:$0x3FB6];
	_ =	sdelay $0x3  }
0x37: {  	[smem:$0x3FB6] =	sst s10  }
0x38: {  	s10 =	sld [smem:$0x3FB7]  }
0x39: {  	_ = 	snop;
	(pc) =	sbr.ind lr, $3  }
0x3a: {  	_ = 	snop  }
0x3b: {  	_ = 	snop  }
0x3c: {  	p2 =	seq.s32 s10, $0x1;
	s10 =	sld [smem:$0x3FB6]  }
0x3d: {  	_ =	shalt  }
0x3e: {  	_ =	shalt  }
0x3f: {  	_ =	shalt  }
0x40: {  	_ =	shalt  }
0x41: {  	_ =	shalt  }
0x42: {  	_ =	shalt  }
0x43: {  	_ =	shalt  }
0x44: {  	_ =	shalt  }
0x45: {  	_ =	shalt  }
0x46: {  	_ =	shalt  }
0x47: {  	_ =	shalt  }
0x48: {  	_ =	shalt  }
0x49: {  	_ =	shalt  }
0x4a: {  	_ =	shalt  }
0x4b: {  	_ =	shalt  }
0x4c: {  	_ =	shalt  }
0x4d: {  	_ =	shalt  }
0x4e: {  	_ =	shalt  }
0x4f: {  	_ =	shalt  }
0x50: {  	_ =	shalt  }
0x51: {  	_ =	shalt  }
0x52: {  	_ =	shalt  }
0x53: {  	_ =	shalt  }
0x54: {  	_ =	shalt  }
0x55: {  	_ =	shalt  }
0x56: {  	_ =	shalt  }
0x57: {  	_ =	shalt  }
0x58: {  	_ =	shalt  }
0x59: {  	_ =	shalt  }
0x5a: {  	_ =	shalt  }
0x5b: {  	_ =	shalt  }
0x5c: {  	_ =	shalt  }
0x5d: {  	_ =	shalt  }
0x5e: {  	_ =	shalt  }
0x5f: {  	_ =	shalt  }
0x60: {  	_ =	shalt  }
0x61: {  	_ =	shalt  }
0x62: {  	_ =	shalt  }
0x63: {  	_ =	shalt  }
0x64: {  	_ =	shalt  }
0x65: {  	_ =	shalt  }
0x66: {  	_ =	shalt  }
0x67: {  	_ =	shalt  }
0x68: {  	_ =	shalt  }
0x69: {  	_ =	shalt  }
0x6a: {  	_ =	shalt  }
0x6b: {  	_ =	shalt  }
0x6c: {  	_ =	shalt  }
0x6d: {  	_ =	shalt  }
0x6e: {  	_ =	shalt  }
0x6f: {  	_ =	shalt  }
0x70: {  	_ =	shalt  }
0x71: {  	_ =	shalt  }
0x72: {  	_ =	shalt  }
0x73: {  	_ =	shalt  }
0x74: {  	_ =	shalt  }
0x75: {  	_ =	shalt  }
0x76: {  	_ =	shalt  }
0x77: {  	_ =	shalt  }
0x78: {  	_ =	shalt  }
0x79: {  	_ =	shalt  }
0x7a: {  	_ =	shalt  }
0x7b: {  	_ =	shalt  }
0x7c: {  	_ =	shalt  }
0x7d: {  	_ =	shalt  }
0x7e: {  	_ =	shalt  }
0x7f: {  	_ =	shalt  }
0x80: {  	_ =	shalt  }
0x81: {  	_ =	shalt  }
0x82: {  	_ =	shalt  }
0x83: {  	_ =	shalt  }
0x84: {  	_ =	shalt  }
0x85: {  	_ =	shalt  }
0x86: {  	_ =	shalt  }
0x87: {  	_ =	shalt  }
.Lfunc_end0:
.L_simem_size_0:
called_computation_lowered:
.L_overlay_start_0:
0x88: {  	s2 =	sld [smem:$0x3FD9]  }
0x89: {  	s3 =	sld [smem:$0x3FFE];
	_ =	sdelay $0x1  }
0x8a: {  	s1 =	srdreg.scid  }
0x8b: {  	s0 =	sand.u32 $0x1, s1  }
0x8c: {  	s13 =	sshll.u32 s0, $0xA;
	s2 =	sadd.s32 s3, s2  }
0x8d: {  	s2 =	sadd.s32 s2, s13  }
0x8e: {  	[smem:$0x3FC2] =	sst s2  }
0x8f: {  	_ = 	snop  }
0x90: {  	s2 =	sld [smem:$0x3FD0];
	_ =	sdelay $0x3  }
0x91: {  	s4 =	simm.s32 $0xA;
	s5 =	simm.s32 $0x10;
	s14 =	sadd.s32 $0x1, s2  }
0x92: {  	[smem:s5], [sflag:s4] =	dma.local [hbm:s14], $0x1  }
0x93: {  	_ =	swait.eq [sflag:s4], $0x1  }
0x94: {  	[sflag:s4] =	ssyncset.done $0x0  }
0x95: {  	s15 =	sld [smem:$0x10];
	[sflag:s4] =	ssyncadd.s32 $0xFFFFFFFF  }
0x96: {  	s6 =	sld [smem:$0x11]  }
0x97: {  	[smem:s5], [sflag:s4] =	dma.local [hbm:s2], $0x1  }
0x98: {  	_ =	swait.eq [sflag:s4], $0x1  }
0x99: {  	[sflag:s4] =	ssyncset.done $0x0  }
0x9a: {  	s16 =	sld [smem:$0x16];
	[sflag:s4] =	ssyncadd.s32 $0xFFFFFFFF  }
0x9b: {  	s17 =	sld [smem:$0x17];
	(tm) =	ssettm $0x1  }
0x9c: {  	s18 =	sld [smem:$0x3FFB];
	_ =	sdelay $0x3  }
0x9d: {  	_ =	strace s18  }
0x9e: {  	s5 =	sld [smem:$0x3FFC];
	_ =	sdelay $0x3  }
0x9f: {  	_ =	strace s5  }
0xa0: {  	s5 =	sld [smem:$0x3FFD];
	_ =	sdelay $0x3  }
0xa1: {  	_ =	strace s5  }
0xa2: {  	_ =	strace $0x8FFFFFFF  }
0xa3: {  	s19 =	sld [smem:$0x3FDB];
	_ =	sdelay $0x1  }
0xa4: {  	s7 =	simm.s32 $_scs_section_size  }
0xa5: {  	s8 =	simm.s32 $_size__tile_overlayer_lowered;
	s9 =	simm.s32 $_tile_overlayer_lowered  }
0xa6: {  	s22 =	simm.s32 $0x1BFF;
	s21 =	sshll.u32 s9, $0x1;
	s5 =	sadd.s32 s7, s19  }
0xa7: {  	s10 =	simm.s32 $0x0;
	s20 =	sshll.u32 s8, $0x1;
	s8 =	sadd.s32 s21, s5  }
0xa8: {  	[timem:s10], [sflag:s22] =	dma.local [hbm:s8], s20  }
0xa9: {  	_ =	swait.ge [sflag:s22], s20  }
0xaa: {  	s7 =	ssub.s32 $0x0, s20;
	[sflag:s22] =	ssyncset.done $0x0  }
0xab: {  	[sflag:s22] =	ssyncadd.s32 s7;
	_ =	sdelay $0x1  }
0xac: {  	s23 =	simm.s32 $0x1B8B  }
0xad: {  	_ =	swait.ge [sflag:s23], $0x1  }
0xae: {  	[sflag:s23] =	ssyncset.done $0x0  }
0xaf: {  	s25 =	simm.s32 $0x1B8E;
	s24 =	sld [smem:$0x3FFE];
	[sflag:s23] =	ssyncadd.s32 $0xFFFFFFFF  }
0xb0: {  	s26 =	simm.s32 $execute0_lowered;
	[smem:$0x3FD2] =	sst s25  }
0xb1: {  	s8 =	sshll.u32 s26, $0x1;
	_ =	strace $0x80000046;
	[dreg:$0x1] =	wrdreg $0xFFFFFFFF  }
0xb2: {  	s28 =	simm.s32 $_size_execute0_lowered;
	s5 =	sadd.s32 s5, s8;
	[dreg:$0x0] =	wrdreg $0x0  }
0xb3: {  	s8 =	sshll.u32 s28, $0x1;
	[dreg:$0x2] =	wrdreg s5  }
0xb4: {  	[dreg:$0x3] =	wrdreg s8  }
0xb5: {  	[dreg:$0x4] =	wrdreg $0xC0  }
0xb6: {  	_ =	task [dreg:s10], $0x5FFFF  }
0xb7: {  	[dreg:$0x1] =	wrdreg $0xFFFFFFFF  }
0xb8: {  	[dreg:$0x0] =	wrdreg $0x60  }
0xb9: {  	[dreg:$0x2] =	wrdreg s17  }
0xba: {  	[dreg:$0x3] =	wrdreg s16  }
0xbb: {  	[dreg:$0x4] =	wrdreg s15  }
0xbc: {  	[dreg:$0x5] =	wrdreg s24  }
0xbd: {  	[dreg:$0x6] =	wrdreg s6  }
0xbe: {  	[dreg:$0x7] =	wrdreg $0x9  }
0xbf: {  	_ =	task.clear_ibuf [dreg:s10], $0x8FFFF;
	_ =	strace $0x90000046  }
0xc0: {  	s29 =	simm.s32 $0x9;
	_ =	strace $0x80000048  }
0xc1: {  	_ =	swait.ge [sflag:s29], $0x1  }
0xc2: {  	[sflag:s29] =	ssyncadd.s32 $0xFFFFFFFF  }
0xc3: {  	_ =	strace $0x90000048  }
0xc4: {  	_ =	sfence  }
0xc5: {  	s30 =	sld [smem:$0x0];
	_ =	sdelay $0x2  }
0xc6: {  	s31 =	sshll.u32 s1, $0xD;
	s1 =	sshrl.u32 s1, $0x2  }
0xc7: {  	s3 =	sand.u32 $0x4000, s31;
	s1 =	sadd.s32 s1, s30  }
0xc8: {  	s0 =	sor.u32 s3, s0;
	s1 =	sshll.u32 s1, $0x11  }
0xc9: {  	s0 =	sor.u32 s1, s0  }
0xca: {  	s0 =	sadd.s32 $0x8F2B, s0  }
0xcb: {  	[sflag:s0] =	ssyncadd.remote.s32 $0x1  }
0xcc: {  	_ =	sfence.sel $0xFFFF  }
0xcd: {  	[dreg:$0x0] =	wrdreg $0xFFFFFFFF;
	(pc) =	sbr.abs _section_cstart, $3  }
0xce: {  	[dreg:$0x1] =	wrdreg $0xFFFFFFFF  }
0xcf: {  	_ =	task.clear_ibuf [dreg:s10], $0x2FFFF;
	_ =	strace $0x9FFFFFFF  }
0xd0: {  	(tm) =	ssettm $0x7FFFFFFF  }
0xd1: {  	_ =	shalt  }
tec
execute0_lowered:
.L_overlay_start_1:
0x0: {  	(tag) =	ssettag $0x1  }
0x1: {  	s3 =	rddreg [dreg:$0x0]  }
0x2: {  	s5 =	rddreg [dreg:$0x1]  }
0x3: {  	s10 =	rddreg [dreg:$0x2]  }
0x4: {  	s1 =	srdreg.scid;
	s4 =	rddreg [dreg:$0x3]  }
0x5: {  	s0 =	stileid.u32;
	s2 =	rddreg [dreg:$0x4];
	s6 =	sand.u32 $0x1, s1  }
0x6: {  	s9 =	simm.s32 $0x0;
	s8 =	sshll.u32 s6, $0x3;
	s6 =	ssub.s32 $0x2, s6  }
0x7: {  	p1 =	por $0x0, $0x0;
	s1 =	rddreg [dreg:$0x5];
	s13 =	sshrl.u32 s6, $0x1  }
0x8: {  	s7 =	sshll.u32 s0, $0x4;
	[smem:$0x7FF] =	sst s9;
	s6 =	ssub.s32 s6, s13  }
0x9: {  	p0 =	sgt.u32 s0, $0x7;
	s7 =	sor.u32 s8, s7;
	s6 =	smax.u32 s6, $0x1  }
0xa: {  	_ =	strace $0x80000047;
	s8 =	sshll.u32 s7, $0x1;
	s20 =	sadd.s32 $0xFFFFFFFF, s6  }
0xb: {  	s29 =	sadd.s32 $0xFFFFFF80, s7;
	s12 =	sshll.u32 s7, $0x2;
	p2 =	sne.s32 s20, $0x0  }
.Ltmp0:
0xc: {  	s31 =	sshrl.u32 s7, $0x3;
	s11 =	sadd.s32 s8, s4;
	(pc) =	sbr.rel @!p2 .LBB2_3-.Ltmp0, $4  }
0xd: {  	s30 =	sshll.u32 s29, $0x1;
	s12 =	sadd.s32 s12, s4;
	s9 =	sshrl.u32 s29, $0x3  }
0xe: {  	s7 =	sadd.s32 s3, s31;
	s8 =	sand.u32 $0x1FFFFFF0, s30;
	s9 =	sadd.s32 s5, s9  }
0xf: {  	s6 =	sadd.s32 $0xBE00, s11;
	s5 =	sadd.s32 s10, s31;
	s8 =	sadd.s32 s8, s4  }
0x10: {  	s3 =	sadd.s32 $0xBA00, s12;
	s4 =	sadd.s32 $0x1C00, s4;
	s8 =	sadd.s32 $0xBC00, s8  }
0x11: {  	s10 =	simm.s32 @p0 $0x0;
	s11 =	simm.s32 @p0 $0x2  }
0x12: {  	[tilespmem:s10], [sflag:$0x2] =	stream.linear.gather @p0 [hbm4b:s9+s10], $0x8, $0x38;
	[tilespmem:$0x190] =	vst v63  }
0x13: {  	_ =	swait.ge @p0 [sflag:s11], $0x8  }
0x14: {  	[sflag:s11] =	ssyncset.done @p0 $0x0  }
0x15: {  	s12 =	simm.s32 @p0 $0x8;
	s13 =	simm.s32 @p0 $0x1;
	[sflag:s11] =	ssyncadd.s32 @p0 $0xFFFFFFF8  }
0x16: {  	[tilespmem:s12], [sflag:$0x1] =	stream.indirect.gather @p0 [hbm4b:s4+s12], $0x10, s10, s12, $0xb8;
	[tilespmem:$0x190] =	vst v63  }
0x17: {  	_ =	swait.ge @p0 [sflag:s13], $0x80  }
0x18: {  	[sflag:s13] =	ssyncset.done @p0 $0x0  }
0x19: {  	[sflag:s13] =	ssyncadd.s32 @p0 $0xFFFFFF80  }
0x1a: {  	[hbm4b:s8+s10] =	stream.linear.scatter @p0 [tilespmem:s12], [sflag:$0x2], $0x80, $0x38;
	[tilespmem:$0x190] =	vst v63  }
0x1b: {  	_ =	swait.ge @p0 [sflag:s11], $0x80  }
0x1c: {  	[sflag:s11] =	ssyncset.done @p0 $0x0  }
0x1d: {  	s15 =	simm.s32 @!p0 $0x0;
	s14 =	simm.s32 @!p0 $0x2;
	[sflag:s11] =	ssyncadd.s32 @p0 $0xFFFFFF80  }
0x1e: {  	[tilespmem:s15], [sflag:$0x2] =	stream.linear.gather @!p0 [hbm4b:s7+s15], $0x8, $0x38;
	[tilespmem:$0x190] =	vst v63  }
0x1f: {  	_ =	swait.ge @!p0 [sflag:s14], $0x8  }
0x20: {  	[sflag:s14] =	ssyncset.done @!p0 $0x0  }
0x21: {  	s16 =	simm.s32 @!p0 $0x8;
	s17 =	simm.s32 @!p0 $0x1;
	[sflag:s14] =	ssyncadd.s32 @!p0 $0xFFFFFFF8  }
0x22: {  	[tilespmem:s16], [sflag:$0x1] =	stream.indirect.gather @!p0 [hbm4b:s4+s16], $0x10, s15, s16, $0xb8;
	[tilespmem:$0x190] =	vst v63  }
0x23: {  	_ =	swait.ge @!p0 [sflag:s17], $0x80  }
0x24: {  	[sflag:s17] =	ssyncset.done @!p0 $0x0  }
0x25: {  	[sflag:s17] =	ssyncadd.s32 @!p0 $0xFFFFFF80  }
0x26: {  	[hbm4b:s6+s15] =	stream.linear.scatter @!p0 [tilespmem:s16], [sflag:$0x2], $0x80, $0x38;
	[tilespmem:$0x190] =	vst v63  }
0x27: {  	_ =	swait.ge @!p0 [sflag:s14], $0x80  }
0x28: {  	[sflag:s14] =	ssyncset.done @!p0 $0x0  }
0x29: {  	s18 =	simm.s32 @!p0 $0x88;
	[sflag:s14] =	ssyncadd.s32 @!p0 $0xFFFFFF80  }
0x2a: {  	[tilespmem:s18], [sflag:$0x2] =	stream.linear.gather @!p0 [hbm4b:s5+s15], $0x8, $0x38;
	[tilespmem:$0x190] =	vst v63  }
0x2b: {  	_ =	swait.ge @!p0 [sflag:s14], $0x8  }
0x2c: {  	[sflag:s14] =	ssyncset.done @!p0 $0x0  }
0x2d: {  	s19 =	simm.s32 @!p0 $0x90;
	s20 =	sadd.s32 $0xFFFFFFFF, s20;
	[sflag:s14] =	ssyncadd.s32 @!p0 $0xFFFFFFF8  }
0x2e: {  	[tilespmem:s19], [sflag:$0x1] =	stream.indirect.gather @!p0 [hbm4b:s2+s16], $0x20, s18, s16, $0xb8;
	[tilespmem:$0x190] =	vst v63  }
0x2f: {  	p2 =	sne.s32 s20, $0x0;
	_ =	swait.ge @!p0 [sflag:s17], $0x100  }
.Ltmp1:
0x30: {  	[sflag:s17] =	ssyncset.done @!p0 $0x0;
	(pc) =	sbr.rel @!p2 .LBB2_3-.Ltmp1, $4  }
0x31: {  	[sflag:s17] =	ssyncadd.s32 @!p0 $0xFFFFFF00  }
0x32: {  	[hbm4b:s3+s15] =	stream.linear.scatter @!p0 [tilespmem:s19], [sflag:$0x2], $0x100, $0x38;
	[tilespmem:$0x190] =	vst v63  }
0x33: {  	_ =	swait.ge @!p0 [sflag:s14], $0x100  }
0x34: {  	p1 =	por $0x1, $0x1;
	[sflag:s14] =	ssyncset.done @!p0 $0x0  }
.LBB2_2:
0x35: {  	[sflag:s14] =	ssyncadd.s32 @!p0 $0xFFFFFF00  }
0x36: {  	[tilespmem:s10], [sflag:$0x2] =	stream.linear.gather @p0 [hbm4b:s9+s10], $0x8, $0x38;
	[tilespmem:$0x190] =	vst v63  }
0x37: {  	s20 =	sadd.s32 $0xFFFFFFFF, s20;
	_ =	swait.ge @p0 [sflag:s11], $0x8  }
0x38: {  	p2 =	sne.s32 s20, $0x0;
	[sflag:s11] =	ssyncset.done @p0 $0x0  }
0x39: {  	[sflag:s11] =	ssyncadd.s32 @p0 $0xFFFFFFF8  }
0x3a: {  	[tilespmem:s12], [sflag:$0x1] =	stream.indirect.gather @p0 [hbm4b:s4+s12], $0x10, s10, s12, $0xb8;
	[tilespmem:$0x190] =	vst v63  }
0x3b: {  	_ =	swait.ge @p0 [sflag:s13], $0x80  }
0x3c: {  	[sflag:s13] =	ssyncset.done @p0 $0x0  }
0x3d: {  	[sflag:s13] =	ssyncadd.s32 @p0 $0xFFFFFF80  }
0x3e: {  	[hbm4b:s8+s10] =	stream.linear.scatter @p0 [tilespmem:s12], [sflag:$0x2], $0x80, $0x38;
	[tilespmem:$0x190] =	vst v63  }
0x3f: {  	_ =	swait.ge @p0 [sflag:s11], $0x80  }
0x40: {  	[sflag:s11] =	ssyncset.done @p0 $0x0  }
0x41: {  	[sflag:s11] =	ssyncadd.s32 @p0 $0xFFFFFF80  }
0x42: {  	[tilespmem:s15], [sflag:$0x2] =	stream.linear.gather @!p0 [hbm4b:s7+s15], $0x8, $0x38;
	[tilespmem:$0x190] =	vst v63  }
0x43: {  	_ =	swait.ge @!p0 [sflag:s14], $0x8  }
0x44: {  	[sflag:s14] =	ssyncset.done @!p0 $0x0  }
0x45: {  	[sflag:s14] =	ssyncadd.s32 @!p0 $0xFFFFFFF8  }
0x46: {  	[tilespmem:s16], [sflag:$0x1] =	stream.indirect.gather @!p0 [hbm4b:s4+s16], $0x10, s15, s16, $0xb8;
	[tilespmem:$0x190] =	vst v63  }
0x47: {  	_ =	swait.ge @!p0 [sflag:s17], $0x80  }
0x48: {  	[sflag:s17] =	ssyncset.done @!p0 $0x0  }
0x49: {  	[sflag:s17] =	ssyncadd.s32 @!p0 $0xFFFFFF80  }
0x4a: {  	[hbm4b:s6+s15] =	stream.linear.scatter @!p0 [tilespmem:s16], [sflag:$0x2], $0x80, $0x38;
	[tilespmem:$0x190] =	vst v63  }
0x4b: {  	_ =	swait.ge @!p0 [sflag:s14], $0x80  }
0x4c: {  	[sflag:s14] =	ssyncset.done @!p0 $0x0  }
0x4d: {  	[sflag:s14] =	ssyncadd.s32 @!p0 $0xFFFFFF80  }
0x4e: {  	[tilespmem:s18], [sflag:$0x2] =	stream.linear.gather @!p0 [hbm4b:s5+s15], $0x8, $0x38;
	[tilespmem:$0x190] =	vst v63  }
0x4f: {  	_ =	swait.ge @!p0 [sflag:s14], $0x8  }
0x50: {  	[sflag:s14] =	ssyncset.done @!p0 $0x0  }
0x51: {  	[sflag:s14] =	ssyncadd.s32 @!p0 $0xFFFFFFF8  }
0x52: {  	[tilespmem:s19], [sflag:$0x1] =	stream.indirect.gather @!p0 [hbm4b:s2+s16], $0x20, s18, s16, $0xb8;
	[tilespmem:$0x190] =	vst v63  }
0x53: {  	_ =	swait.ge @!p0 [sflag:s17], $0x100  }
.Ltmp2:
0x54: {  	[sflag:s17] =	ssyncset.done @!p0 $0x0;
	(pc) =	sbr.rel @p2 .LBB2_2-.Ltmp2, $4  }
0x55: {  	[sflag:s17] =	ssyncadd.s32 @!p0 $0xFFFFFF00  }
0x56: {  	[hbm4b:s3+s15] =	stream.linear.scatter @!p0 [tilespmem:s19], [sflag:$0x2], $0x100, $0x38;
	[tilespmem:$0x190] =	vst v63  }
0x57: {  	_ =	swait.ge @!p0 [sflag:s14], $0x100  }
0x58: {  	[sflag:s14] =	ssyncset.done @!p0 $0x0  }
.LBB2_3:
0x59: {  	p1 =	por p0, !p1  }
0x5a: {  	s10 =	simm.s32 @p0 $0x0;
	s11 =	simm.s32 @p0 $0x2;
	[sflag:s14] =	ssyncadd.s32 @!p1 $0xFFFFFF00  }
0x5b: {  	[tilespmem:s10], [sflag:$0x2] =	stream.linear.gather @p0 [hbm4b:s9+s10], $0x8, $0x38;
	[tilespmem:$0x190] =	vst v63  }
0x5c: {  	_ =	swait.ge @p0 [sflag:s11], $0x8  }
0x5d: {  	[sflag:s11] =	ssyncset.done @p0 $0x0  }
0x5e: {  	s12 =	simm.s32 @p0 $0x1;
	s9 =	simm.s32 @p0 $0x8;
	[sflag:s11] =	ssyncadd.s32 @p0 $0xFFFFFFF8  }
0x5f: {  	[tilespmem:s9], [sflag:$0x1] =	stream.indirect.gather @p0 [hbm4b:s4+s9], $0x10, s10, s9, $0xb8;
	[tilespmem:$0x190] =	vst v63  }
0x60: {  	_ =	swait.ge @p0 [sflag:s12], $0x80  }
0x61: {  	[sflag:s12] =	ssyncset.done @p0 $0x0  }
0x62: {  	[sflag:s12] =	ssyncadd.s32 @p0 $0xFFFFFF80  }
0x63: {  	[hbm4b:s8+s10] =	stream.linear.scatter @p0 [tilespmem:s9], [sflag:$0x2], $0x80, $0x38;
	[tilespmem:$0x190] =	vst v63  }
0x64: {  	_ =	swait.ge @p0 [sflag:s11], $0x80  }
0x65: {  	[sflag:s11] =	ssyncset.done @p0 $0x0  }
0x66: {  	s8 =	simm.s32 @!p0 $0x0;
	s9 =	simm.s32 @!p0 $0x2;
	[sflag:s11] =	ssyncadd.s32 @p0 $0xFFFFFF80  }
0x67: {  	[tilespmem:s8], [sflag:$0x2] =	stream.linear.gather @!p0 [hbm4b:s7+s8], $0x8, $0x38;
	[tilespmem:$0x190] =	vst v63  }
0x68: {  	_ =	swait.ge @!p0 [sflag:s9], $0x8  }
0x69: {  	[sflag:s9] =	ssyncset.done @!p0 $0x0  }
0x6a: {  	s10 =	simm.s32 @!p0 $0x1;
	s7 =	simm.s32 @!p0 $0x8;
	[sflag:s9] =	ssyncadd.s32 @!p0 $0xFFFFFFF8  }
0x6b: {  	[tilespmem:s7], [sflag:$0x1] =	stream.indirect.gather @!p0 [hbm4b:s4+s7], $0x10, s8, s7, $0xb8;
	[tilespmem:$0x190] =	vst v63  }
0x6c: {  	_ =	swait.ge @!p0 [sflag:s10], $0x80  }
0x6d: {  	[sflag:s10] =	ssyncset.done @!p0 $0x0  }
0x6e: {  	[sflag:s10] =	ssyncadd.s32 @!p0 $0xFFFFFF80  }
0x6f: {  	[hbm4b:s6+s8] =	stream.linear.scatter @!p0 [tilespmem:s7], [sflag:$0x2], $0x80, $0x38;
	[tilespmem:$0x190] =	vst v63  }
0x70: {  	_ =	swait.ge @!p0 [sflag:s9], $0x80  }
0x71: {  	[sflag:s9] =	ssyncset.done @!p0 $0x0  }
0x72: {  	s4 =	simm.s32 @!p0 $0x88;
	[sflag:s9] =	ssyncadd.s32 @!p0 $0xFFFFFF80  }
0x73: {  	[tilespmem:s4], [sflag:$0x2] =	stream.linear.gather @!p0 [hbm4b:s5+s8], $0x8, $0x38;
	[tilespmem:$0x190] =	vst v63  }
0x74: {  	_ =	swait.ge @!p0 [sflag:s9], $0x8  }
0x75: {  	[sflag:s9] =	ssyncset.done @!p0 $0x0  }
0x76: {  	s5 =	simm.s32 @!p0 $0x90;
	[sflag:s9] =	ssyncadd.s32 @!p0 $0xFFFFFFF8  }
0x77: {  	[tilespmem:s5], [sflag:$0x1] =	stream.indirect.gather @!p0 [hbm4b:s2+s7], $0x20, s4, s7, $0xb8;
	[tilespmem:$0x190] =	vst v63  }
0x78: {  	_ =	swait.ge @!p0 [sflag:s10], $0x100  }
0x79: {  	[sflag:s10] =	ssyncset.done @!p0 $0x0  }
0x7a: {  	[sflag:s10] =	ssyncadd.s32 @!p0 $0xFFFFFF00  }
0x7b: {  	[hbm4b:s3+s8] =	stream.linear.scatter @!p0 [tilespmem:s5], [sflag:$0x2], $0x100, $0x38;
	[tilespmem:$0x190] =	vst v63  }
0x7c: {  	_ =	swait.ge @!p0 [sflag:s9], $0x100  }
0x7d: {  	[sflag:s9] =	ssyncset.done @!p0 $0x0  }
0x7e: {  	[sflag:s9] =	ssyncadd.s32 @!p0 $0xFFFFFF00  }
0x7f: {  	_ =	sfence.sel $0x180000  }
0x80: {  	[bflag:$0x0] =	sbarrier.arrive $0xFFFF  }
0x81: {  	p0 =	sne.s32 s0, $0x0;
	_ =	strace $0x90000047  }
0x82: {  	s0 =	sadd.s32 @!p0 $0x100000, s1;
	[bflag:$0x2] =	sbarrier.arrive $0xFFFF  }
0x83: {  	[sflag:s0] =	ssyncadd.tile.s32 @!p0 $0x1;
	_ =	shalt  }
.Lfunc_end2:
_tile_overlayer_lowered:
.L_overlay_start_2:
0x84: {  	(tag) =	ssettag $0x2  }
0x85: {  	s0 =	rddreg [dreg:$0x0];
	s2 =	stileid.u32  }
0x86: {  	s1 =	rddreg [dreg:$0x1];
	p0 =	sne.s32 s2, $0x0  }
0x87: {  	s3 =	rddreg [dreg:$0x2];
	[bflag:$0x3] =	sbarrier.arrive $0xFFFF;
	s2 =	simm.s32 @!p0 $0x1C02  }
0x88: {  	[timem:s3], [sflag:s2] =	dma.local @!p0 [hbm:s0], s1  }
0x89: {  	s0 =	simm.s32 @!p0 $0x2  }
0x8a: {  	_ =	swait.ge @!p0 [sflag:s0], s1  }
0x8b: {  	s1 =	ssub.s32 @!p0 $0x0, s1;
	[sflag:s0] =	ssyncset.done @!p0 $0x0  }
0x8c: {  	[sflag:s0] =	ssyncadd.s32 @!p0 s1  }
0x8d: {  	[bflag:$0x3] =	sbarrier.arrive $0xFFFF  }
0x8e: {  	_ =	shalt  }

</sc_bundles>
